<compile_context>
chip_gen: v7x
topology: tpu7x:2x2x1
jax: 0.10.2.dev20260603
libtpu: 0.0.44.dev20260713+nightly
codegen_flags: <defaults>
</compile_context>

<pallas_src>
import functools

import jax
import jax.numpy as jnp
from jax import lax
from jax.experimental import pallas as pl
from jax.experimental.pallas import tpu as pltpu
from jax.experimental.pallas import tpu_sc as plsc

_MAX_L = 3
_NA = 100
_NL = _MAX_L + 1
_NM = 2 * _MAX_L + 1
_R = _NA * _NL * _NM
_B = 500000
_D = 64



def _table_body(e_ref, l_ref, m_ref, w1_ref, b1_ref, w2_ref, b2_ref, o_ref):
    f32 = jnp.float32
    hi = jax.lax.Precision.HIGHEST
    w1 = w1_ref[...]
    e1 = lax.dot(e_ref[...], w1[0:32, :], precision=hi, preferred_element_type=f32)
    l1 = lax.dot(l_ref[...], w1[32:48, :], precision=hi, preferred_element_type=f32)
    m1 = lax.dot(m_ref[...], w1[48:64, :], precision=hi, preferred_element_type=f32)
    rows = lax.broadcasted_iota(jnp.int32, (_R, 1), 0)
    aid = rows // (_NL * _NM)
    lid = (rows // _NM) % _NL
    mid = rows % _NM
    oh_a = (lax.broadcasted_iota(jnp.int32, (_R, _NA), 1) == aid).astype(f32)
    oh_l = (lax.broadcasted_iota(jnp.int32, (_R, _NL), 1) == lid).astype(f32)
    oh_m = (lax.broadcasted_iota(jnp.int32, (_R, _NM), 1) == mid).astype(f32)
    h = (
        lax.dot(oh_a, e1, precision=hi, preferred_element_type=f32)
        + lax.dot(oh_l, l1, precision=hi, preferred_element_type=f32)
        + lax.dot(oh_m, m1, precision=hi, preferred_element_type=f32)
        + b1_ref[...]
    )
    s = h * (1.0 / (1.0 + jnp.exp(-h)))
    o_ref[...] = lax.dot(s, w2_ref[...], precision=hi, preferred_element_type=f32) + b2_ref[...]


def _build_table(element_embed, l_embed, m_embed, W1, b1, W2, b2):
    return pl.pallas_call(
        _table_body,
        out_shape=jax.ShapeDtypeStruct((_R, _D), jnp.float32),
    )(element_embed, l_embed, m_embed, W1, b1.reshape(1, _D), W2, b2.reshape(1, _D))



_L = 16
_G = 128
_S = 512
_NG = _S // _G
_NS = 31
_ROWS_W = _S * _NS
_SPAN = _B - _ROWS_W
_NW = 32
_NBUF = 3


def _sc_body(table_hbm, a_hbm, l_hbm, m_hbm, out_hbm,
             a_v, l_v, m_v, f_v, rows_v, table_sh, sem_i, sem_g, sem_o):
    wid = lax.axis_index("s") * 2 + lax.axis_index("c")

    @pl.when(lax.axis_index("s") == 0)
    def _():
        pltpu.sync_copy(table_hbm, table_sh)

    plsc.subcore_barrier()
    off = 8 * ((wid * _SPAN) // (8 * (_NW - 1)))

    def idx_copies(s, slot):
        base = off + s * _S
        return (
            pltpu.make_async_copy(a_hbm.at[pl.ds(base, _S)], a_v.at[slot], sem_i.at[slot]),
            pltpu.make_async_copy(l_hbm.at[pl.ds(base, _S)], l_v.at[slot], sem_i.at[slot]),
            pltpu.make_async_copy(m_hbm.at[pl.ds(base, _S)], m_v.at[slot], sem_i.at[slot]),
        )

    def gather_copy(slot, j):
        return pltpu.make_async_copy(
            table_sh.at[f_v.at[slot, pl.ds(j * _G, _G)]],
            rows_v.at[slot, pl.ds(j * _G, _G)],
            sem_g.at[slot])

    def out_copy(s, slot):
        return pltpu.make_async_copy(
            rows_v.at[slot], out_hbm.at[pl.ds(off + s * _S, _S)], sem_o.at[slot])

    for c in idx_copies(0, 0):
        c.start()

    @pl.loop(0, _NS)
    def _sc(s):
        si = lax.rem(s, 2)
        pi = 1 - si
        slot = lax.rem(s, _NBUF)
        prev = lax.rem(s + _NBUF - 1, _NBUF)
        for c in idx_copies(s, si):
            c.wait()

        @pl.when(s < _NS - 1)
        def _():
            for c in idx_copies(s + 1, pi):
                c.start()

        @pl.loop(0, _S // _L, unroll=4)
        def _vec(i):
            sl = pl.ds(i * _L, _L)
            a = jnp.clip(a_v[si, sl], 0, _NA - 1)
            l = jnp.clip(l_v[si, sl], 0, _NL - 1)
            m = jnp.clip(m_v[si, sl] + _MAX_L, 0, _NM - 1)
            f_v[slot, sl] = (a * (_NL * _NM) + l * _NM) + m

        @pl.when(s >= _NBUF)
        def _():
            out_copy(s - _NBUF, slot).wait()

        for j in range(_NG):
            gather_copy(slot, j).start()

        @pl.when(s >= 1)
        def _():
            for j in range(_NG):
                gather_copy(prev, j).wait()
            out_copy(s - 1, prev).start()

    last = _NS - 1
    lslot = last % _NBUF
    for j in range(_NG):
        gather_copy(lslot, j).wait()
    out_copy(last, lslot).start()
    for k in range(_NBUF - 1, -1, -1):
        out_copy(last - k, (last - k) % _NBUF).wait()


@functools.cache
def _make_sc_gather():
    return pl.kernel(
        _sc_body,
        out_type=jax.ShapeDtypeStruct((_B, _D), jnp.float32),
        mesh=plsc.VectorSubcoreMesh(core_axis_name="c", subcore_axis_name="s"),
        scratch_types=[
            pltpu.VMEM((2, _S), jnp.int32),
            pltpu.VMEM((2, _S), jnp.int32),
            pltpu.VMEM((2, _S), jnp.int32),
            pltpu.VMEM((_NBUF, _S), jnp.int32),
            pltpu.VMEM((_NBUF, _S, _D), jnp.float32),
            pltpu.VMEM_SHARED((_R, _D), jnp.float32),
            pltpu.SemaphoreType.DMA((2,)),
            pltpu.SemaphoreType.DMA((_NBUF,)),
            pltpu.SemaphoreType.DMA((_NBUF,)),
        ],
        compiler_params=pltpu.CompilerParams(use_tc_tiling_on_sc=False),
    )


def kernel(atomic_numbers, angular_momentum, magnetic_quantum, element_embed,
           l_embed, m_embed, W1, b1, W2, b2):
    table = _build_table(element_embed, l_embed, m_embed, W1, b1, W2, b2)
    return _make_sc_gather()(table, atomic_numbers, angular_momentum,
                             magnetic_quantum)

# --- scband reference (transcript-rebuilt; emitter-appended) ---
"""Pipeline reference for scband-orbital-embedding-1580547975069 (READ-ONLY COPY).

The authoritative reference and input builder live on the scoring server;
editing this copy changes nothing except your own understanding.
"""

import jax, jax.numpy as jnp
import numpy as np

N_BASIS = 500000
MAX_L = 3

def setup_inputs(seed: int = 0) -> dict:
    key = jax.random.key(seed)
    ks = jax.random.split(key, 10)
    atomic_numbers = jax.random.randint(ks[0], (N_BASIS,), 0, 100)
    angular_momentum = jax.random.randint(ks[1], (N_BASIS,), 0, MAX_L + 1)
    magnetic_quantum = jax.random.randint(ks[2], (N_BASIS,), 0, 2 * MAX_L + 1)
    element_embed = jax.random.normal(ks[3], (100, 32), dtype=jnp.float32)
    l_embed = jax.random.normal(ks[4], (MAX_L + 1, 16), dtype=jnp.float32)
    m_embed = jax.random.normal(ks[5], (2 * MAX_L + 1, 16), dtype=jnp.float32)
    W1 = jax.random.normal(ks[6], (64, 64), dtype=jnp.float32) * 0.125
    b1 = jnp.zeros((64,), dtype=jnp.float32)
    W2 = jax.random.normal(ks[7], (64, 64), dtype=jnp.float32) * 0.125
    b2 = jnp.zeros((64,), dtype=jnp.float32)
    return {"atomic_numbers": atomic_numbers, "angular_momentum": angular_momentum, "magnetic_quantum": magnetic_quantum, "element_embed": element_embed, "l_embed": l_embed, "m_embed": m_embed, "W1": W1, "b1": b1, "W2": W2, "b2": b2}

def reference(atomic_numbers, angular_momentum, magnetic_quantum, element_embed, l_embed, m_embed, W1, b1, W2, b2):
    m_shifted = jnp.clip(magnetic_quantum + MAX_L, 0, 2 * MAX_L)
    elem_emb = jnp.take(element_embed, atomic_numbers, axis=0)
    l_emb = jnp.take(l_embed, angular_momentum, axis=0)
    m_emb = jnp.take(m_embed, m_shifted, axis=0)
    combined = jnp.concatenate([elem_emb, l_emb, m_emb], axis=-1)
    h = combined @ W1 + b1
    h = h * jax.nn.sigmoid(h)  # SiLU
    out = h @ W2 + b2
    return out

if __name__ == "__main__":
    import jax
    _d = setup_inputs()
    print(jax.jit(kernel)(*tuple(_d.values())))

</pallas_src>

<mosaic_0001>
#map = affine_map<(d0, d1) -> (0, 0)>
#map1 = affine_map<(d0, d1) -> (0)>
module attributes {stable_mosaic.version = 14 : i64} {
  func.func @_sc_body(%arg0: i32, %arg1: i32, %arg2: memref<2800x64xf32, #tpu.memory_space<hbm>>, %arg3: memref<500000xi32, #tpu.memory_space<hbm>>, %arg4: memref<500000xi32, #tpu.memory_space<hbm>>, %arg5: memref<500000xi32, #tpu.memory_space<hbm>>, %arg6: memref<500000x64xf32, #tpu.memory_space<hbm>>, %arg7: memref<2x512xi32, #tpu.memory_space<vmem>>, %arg8: memref<2x512xi32, #tpu.memory_space<vmem>>, %arg9: memref<2x512xi32, #tpu.memory_space<vmem>>, %arg10: memref<3x512xi32, #tpu.memory_space<vmem>>, %arg11: memref<3x512x64xf32, #tpu.memory_space<vmem>>, %arg12: memref<2800x64xf32, #tpu.memory_space<vmem_shared>>, %arg13: memref<2x!tpu.dma_semaphore, #tpu.memory_space<semaphore_mem>>, %arg14: memref<3x!tpu.dma_semaphore, #tpu.memory_space<semaphore_mem>>, %arg15: memref<3x!tpu.dma_semaphore, #tpu.memory_space<semaphore_mem>>) attributes {dimension_semantics = [#tpu.dimension_semantics<core_parallel>, #tpu.dimension_semantics<subcore_parallel>], iteration_bounds = array<i64: 2, 16>, scalar_prefetch = 0 : i64, scratch_operands = 9 : i64, tpu.core_type = #tpu.core_type<sc_vector_subcore>, window_params = [{transform_indices = #map}, {transform_indices = #map1}, {transform_indices = #map1}, {transform_indices = #map1}, {transform_indices = #map}]} {
    %mul3A = arith.constant 2 : i32
    %mul3A_0 = arith.muli %arg1, %mul3A : i32
    %add3A = arith.addi %mul3A_0, %arg0 : i32
    %eq3A = arith.constant 0 : i32
    %eq3A_1 = arith.cmpi eq, %arg1, %eq3A : i32
    %convert_element_type3A = arith.extui %eq3A_1 : i1 to i32
    %cond3A = arith.constant 0 : i32
    %cond3A_2 = arith.cmpi ne, %convert_element_type3A, %cond3A : i32
    scf.if %cond3A_2 {
      "tpu.region"() ({
        %run_scoped3A = tpu.sem_alloc : memref<!tpu.dma_semaphore, #tpu.memory_space<semaphore_mem>>
        tpu.enqueue_dma source(%arg2 : memref<2800x64xf32, #tpu.memory_space<hbm>>) target(%arg12 : memref<2800x64xf32, #tpu.memory_space<vmem_shared>>) target_semaphore(%run_scoped3A : memref<!tpu.dma_semaphore, #tpu.memory_space<semaphore_mem>>)
        tpu.wait_dma2 semaphore(%run_scoped3A : memref<!tpu.dma_semaphore, #tpu.memory_space<semaphore_mem>>) src(%arg2 : memref<2800x64xf32, #tpu.memory_space<hbm>>) dst(%arg12 : memref<2800x64xf32, #tpu.memory_space<vmem_shared>>)
        tpu.yield
      }) : () -> ()
    } else {
    }
    %barrier3A = arith.constant 0 : index
    tpu.barrier barrier_id(%barrier3A)
    %mul3A_3 = arith.constant 484128 : i32
    %mul3A_4 = arith.muli %add3A, %mul3A_3 : i32
    %jit3A = arith.constant 248 : i32
    %div3A = arith.divsi %mul3A_4, %jit3A : i32
    %sign3A = arith.constant 0 : i32
    %sign3A_5 = arith.cmpi sgt, %mul3A_4, %sign3A : i32
    %sign3A_6 = arith.extui %sign3A_5 : i1 to i32
    %sign3A_7 = arith.constant 0 : i32
    %sign3A_8 = arith.cmpi slt, %mul3A_4, %sign3A_7 : i32
    %sign3A_9 = arith.extui %sign3A_8 : i1 to i32
    %sign3A_10 = arith.subi %sign3A_6, %sign3A_9 : i32
    %sign3A_11 = arith.constant 0 : i32
    %sign3A_12 = arith.cmpi sgt, %jit3A, %sign3A_11 : i32
    %sign3A_13 = arith.extui %sign3A_12 : i1 to i32
    %sign3A_14 = arith.constant 0 : i32
    %sign3A_15 = arith.cmpi slt, %jit3A, %sign3A_14 : i32
    %sign3A_16 = arith.extui %sign3A_15 : i1 to i32
    %sign3A_17 = arith.subi %sign3A_13, %sign3A_16 : i32
    %ne3A = arith.cmpi ne, %sign3A_10, %sign3A_17 : i32
    %rem3A = arith.remsi %mul3A_4, %jit3A : i32
    %ne3A_18 = arith.constant 0 : i32
    %ne3A_19 = arith.cmpi ne, %rem3A, %ne3A_18 : i32
    %and3A = arith.andi %ne3A, %ne3A_19 : i1
    %sub3A = arith.constant 1 : i32
    %sub3A_20 = arith.subi %div3A, %sub3A : i32
    %select_n3A = arith.select %and3A, %sub3A_20, %div3A : i32
    %mul3A_21 = arith.constant 8 : i32
    %mul3A_22 = arith.muli %mul3A_21, %select_n3A : i32
    %add3A_23 = arith.constant 0 : i32
    %add3A_24 = arith.addi %mul3A_22, %add3A_23 : i32
    %dma_start3A = arith.constant 0 : i32
    %dma_start3A_25 = arith.constant 0 : i32
    %dma_start3A_26 = arith.constant 0 : i32
    %dma_start3A_27 = tpu.memref_slice %arg7[%dma_start3A, %dma_start3A_26] : memref<2x512xi32, #tpu.memory_space<vmem>> -> memref<1x512xi32, #tpu.memory_space<vmem>>
    %dma_start3A_28 = tpu.memref_squeeze %dma_start3A_27 : memref<1x512xi32, #tpu.memory_space<vmem>> -> memref<512xi32, #tpu.memory_space<vmem>>
    %dma_start3A_29 = tpu.memref_slice %arg3[%add3A_24] : memref<500000xi32, #tpu.memory_space<hbm>> -> memref<512xi32, #tpu.memory_space<hbm>>
    %dma_start3A_30 = tpu.memref_slice %arg13[%dma_start3A_25] : memref<2x!tpu.dma_semaphore, #tpu.memory_space<semaphore_mem>> -> memref<1x!tpu.dma_semaphore, #tpu.memory_space<semaphore_mem>>
    %dma_start3A_31 = tpu.memref_squeeze %dma_start3A_30 : memref<1x!tpu.dma_semaphore, #tpu.memory_space<semaphore_mem>> -> memref<!tpu.dma_semaphore, #tpu.memory_space<semaphore_mem>>
    %dma_start3A_32 = arith.constant 0 : i32
    %dma_start3A_33 = tpu.memref_slice %arg7[%dma_start3A, %dma_start3A_32] : memref<2x512xi32, #tpu.memory_space<vmem>> -> memref<1x512xi32, #tpu.memory_space<vmem>>
    %dma_start3A_34 = tpu.memref_squeeze %dma_start3A_33 : memref<1x512xi32, #tpu.memory_space<vmem>> -> memref<512xi32, #tpu.memory_space<vmem>>
    %dma_start3A_35 = tpu.memref_slice %arg3[%add3A_24] : memref<500000xi32, #tpu.memory_space<hbm>> -> memref<512xi32, #tpu.memory_space<hbm>>
    tpu.enqueue_dma source(%dma_start3A_35 : memref<512xi32, #tpu.memory_space<hbm>>) target(%dma_start3A_34 : memref<512xi32, #tpu.memory_space<vmem>>) target_semaphore(%dma_start3A_31 : memref<!tpu.dma_semaphore, #tpu.memory_space<semaphore_mem>>)
    %dma_start3A_36 = arith.constant 0 : i32
    %dma_start3A_37 = arith.constant 0 : i32
    %dma_start3A_38 = arith.constant 0 : i32
    %dma_start3A_39 = tpu.memref_slice %arg8[%dma_start3A_36, %dma_start3A_38] : memref<2x512xi32, #tpu.memory_space<vmem>> -> memref<1x512xi32, #tpu.memory_space<vmem>>
    %dma_start3A_40 = tpu.memref_squeeze %dma_start3A_39 : memref<1x512xi32, #tpu.memory_space<vmem>> -> memref<512xi32, #tpu.memory_space<vmem>>
    %dma_start3A_41 = tpu.memref_slice %arg4[%add3A_24] : memref<500000xi32, #tpu.memory_space<hbm>> -> memref<512xi32, #tpu.memory_space<hbm>>
    %dma_start3A_42 = tpu.memref_slice %arg13[%dma_start3A_37] : memref<2x!tpu.dma_semaphore, #tpu.memory_space<semaphore_mem>> -> memref<1x!tpu.dma_semaphore, #tpu.memory_space<semaphore_mem>>
    %dma_start3A_43 = tpu.memref_squeeze %dma_start3A_42 : memref<1x!tpu.dma_semaphore, #tpu.memory_space<semaphore_mem>> -> memref<!tpu.dma_semaphore, #tpu.memory_space<semaphore_mem>>
    %dma_start3A_44 = arith.constant 0 : i32
    %dma_start3A_45 = tpu.memref_slice %arg8[%dma_start3A_36, %dma_start3A_44] : memref<2x512xi32, #tpu.memory_space<vmem>> -> memref<1x512xi32, #tpu.memory_space<vmem>>
    %dma_start3A_46 = tpu.memref_squeeze %dma_start3A_45 : memref<1x512xi32, #tpu.memory_space<vmem>> -> memref<512xi32, #tpu.memory_space<vmem>>
    %dma_start3A_47 = tpu.memref_slice %arg4[%add3A_24] : memref<500000xi32, #tpu.memory_space<hbm>> -> memref<512xi32, #tpu.memory_space<hbm>>
    tpu.enqueue_dma source(%dma_start3A_47 : memref<512xi32, #tpu.memory_space<hbm>>) target(%dma_start3A_46 : memref<512xi32, #tpu.memory_space<vmem>>) target_semaphore(%dma_start3A_43 : memref<!tpu.dma_semaphore, #tpu.memory_space<semaphore_mem>>)
    %dma_start3A_48 = arith.constant 0 : i32
    %dma_start3A_49 = arith.constant 0 : i32
    %dma_start3A_50 = arith.constant 0 : i32
    %dma_start3A_51 = tpu.memref_slice %arg9[%dma_start3A_48, %dma_start3A_50] : memref<2x512xi32, #tpu.memory_space<vmem>> -> memref<1x512xi32, #tpu.memory_space<vmem>>
    %dma_start3A_52 = tpu.memref_squeeze %dma_start3A_51 : memref<1x512xi32, #tpu.memory_space<vmem>> -> memref<512xi32, #tpu.memory_space<vmem>>
    %dma_start3A_53 = tpu.memref_slice %arg5[%add3A_24] : memref<500000xi32, #tpu.memory_space<hbm>> -> memref<512xi32, #tpu.memory_space<hbm>>
    %dma_start3A_54 = tpu.memref_slice %arg13[%dma_start3A_49] : memref<2x!tpu.dma_semaphore, #tpu.memory_space<semaphore_mem>> -> memref<1x!tpu.dma_semaphore, #tpu.memory_space<semaphore_mem>>
    %dma_start3A_55 = tpu.memref_squeeze %dma_start3A_54 : memref<1x!tpu.dma_semaphore, #tpu.memory_space<semaphore_mem>> -> memref<!tpu.dma_semaphore, #tpu.memory_space<semaphore_mem>>
    %dma_start3A_56 = arith.constant 0 : i32
    %dma_start3A_57 = tpu.memref_slice %arg9[%dma_start3A_48, %dma_start3A_56] : memref<2x512xi32, #tpu.memory_space<vmem>> -> memref<1x512xi32, #tpu.memory_space<vmem>>
    %dma_start3A_58 = tpu.memref_squeeze %dma_start3A_57 : memref<1x512xi32, #tpu.memory_space<vmem>> -> memref<512xi32, #tpu.memory_space<vmem>>
    %dma_start3A_59 = tpu.memref_slice %arg5[%add3A_24] : memref<500000xi32, #tpu.memory_space<hbm>> -> memref<512xi32, #tpu.memory_space<hbm>>
    tpu.enqueue_dma source(%dma_start3A_59 : memref<512xi32, #tpu.memory_space<hbm>>) target(%dma_start3A_58 : memref<512xi32, #tpu.memory_space<vmem>>) target_semaphore(%dma_start3A_55 : memref<!tpu.dma_semaphore, #tpu.memory_space<semaphore_mem>>)
    %scan3A = arith.constant 0 : i32
    %scan3A_60 = arith.constant 31 : i32
    %scan3A_61 = arith.addi %scan3A, %scan3A_60 : i32
    %scan3A_62 = arith.constant 1 : i32
    scf.for %scan3A_195 = %scan3A to %scan3A_61 step %scan3A_62  : i32 {
      %mul3A_196 = arith.constant 1 : i32
      %mul3A_197 = arith.muli %scan3A_195, %mul3A_196 : i32
      %add3A_198 = arith.constant 0 : i32
      %add3A_199 = arith.addi %add3A_198, %mul3A_197 : i32
      %rem3A_200 = arith.constant 2 : i32
      %rem3A_201 = arith.remsi %add3A_199, %rem3A_200 : i32
      %sub3A_202 = arith.constant 1 : i32
      %sub3A_203 = arith.subi %sub3A_202, %rem3A_201 : i32
      %rem3A_204 = arith.constant 3 : i32
      %rem3A_205 = arith.remsi %add3A_199, %rem3A_204 : i32
      %add3A_206 = arith.constant 3 : i32
      %add3A_207 = arith.addi %add3A_199, %add3A_206 : i32
      %sub3A_208 = arith.constant 1 : i32
      %sub3A_209 = arith.subi %add3A_207, %sub3A_208 : i32
      %rem3A_210 = arith.constant 3 : i32
      %rem3A_211 = arith.remsi %sub3A_209, %rem3A_210 : i32
      %mul3A_212 = arith.constant 512 : i32
      %mul3A_213 = arith.muli %add3A_199, %mul3A_212 : i32
      %add3A_214 = arith.addi %mul3A_22, %mul3A_213 : i32
      %dma_wait3A_215 = arith.constant 0 : i32
      %dma_wait3A_216 = tpu.memref_slice %arg7[%rem3A_201, %dma_wait3A_215] : memref<2x512xi32, #tpu.memory_space<vmem>> -> memref<1x512xi32, #tpu.memory_space<vmem>>
      %dma_wait3A_217 = tpu.memref_squeeze %dma_wait3A_216 : memref<1x512xi32, #tpu.memory_space<vmem>> -> memref<512xi32, #tpu.memory_space<vmem>>
      %dma_wait3A_218 = tpu.memref_slice %arg3[%add3A_214] : memref<500000xi32, #tpu.memory_space<hbm>> -> memref<512xi32, #tpu.memory_space<hbm>>
      %dma_wait3A_219 = tpu.memref_slice %arg13[%rem3A_201] : memref<2x!tpu.dma_semaphore, #tpu.memory_space<semaphore_mem>> -> memref<1x!tpu.dma_semaphore, #tpu.memory_space<semaphore_mem>>
      %dma_wait3A_220 = tpu.memref_squeeze %dma_wait3A_219 : memref<1x!tpu.dma_semaphore, #tpu.memory_space<semaphore_mem>> -> memref<!tpu.dma_semaphore, #tpu.memory_space<semaphore_mem>>
      %dma_wait3A_221 = arith.constant 0 : i32
      %dma_wait3A_222 = tpu.memref_slice %arg7[%rem3A_201, %dma_wait3A_221] : memref<2x512xi32, #tpu.memory_space<vmem>> -> memref<1x512xi32, #tpu.memory_space<vmem>>
      %dma_wait3A_223 = tpu.memref_squeeze %dma_wait3A_222 : memref<1x512xi32, #tpu.memory_space<vmem>> -> memref<512xi32, #tpu.memory_space<vmem>>
      %dma_wait3A_224 = tpu.memref_slice %arg3[%add3A_214] : memref<500000xi32, #tpu.memory_space<hbm>> -> memref<512xi32, #tpu.memory_space<hbm>>
      tpu.wait_dma2 semaphore(%dma_wait3A_220 : memref<!tpu.dma_semaphore, #tpu.memory_space<semaphore_mem>>) src(%dma_wait3A_224 : memref<512xi32, #tpu.memory_space<hbm>>) dst(%dma_wait3A_223 : memref<512xi32, #tpu.memory_space<vmem>>)
      %dma_wait3A_225 = arith.constant 0 : i32
      %dma_wait3A_226 = tpu.memref_slice %arg8[%rem3A_201, %dma_wait3A_225] : memref<2x512xi32, #tpu.memory_space<vmem>> -> memref<1x512xi32, #tpu.memory_space<vmem>>
      %dma_wait3A_227 = tpu.memref_squeeze %dma_wait3A_226 : memref<1x512xi32, #tpu.memory_space<vmem>> -> memref<512xi32, #tpu.memory_space<vmem>>
      %dma_wait3A_228 = tpu.memref_slice %arg4[%add3A_214] : memref<500000xi32, #tpu.memory_space<hbm>> -> memref<512xi32, #tpu.memory_space<hbm>>
      %dma_wait3A_229 = tpu.memref_slice %arg13[%rem3A_201] : memref<2x!tpu.dma_semaphore, #tpu.memory_space<semaphore_mem>> -> memref<1x!tpu.dma_semaphore, #tpu.memory_space<semaphore_mem>>
      %dma_wait3A_230 = tpu.memref_squeeze %dma_wait3A_229 : memref<1x!tpu.dma_semaphore, #tpu.memory_space<semaphore_mem>> -> memref<!tpu.dma_semaphore, #tpu.memory_space<semaphore_mem>>
      %dma_wait3A_231 = arith.constant 0 : i32
      %dma_wait3A_232 = tpu.memref_slice %arg8[%rem3A_201, %dma_wait3A_231] : memref<2x512xi32, #tpu.memory_space<vmem>> -> memref<1x512xi32, #tpu.memory_space<vmem>>
      %dma_wait3A_233 = tpu.memref_squeeze %dma_wait3A_232 : memref<1x512xi32, #tpu.memory_space<vmem>> -> memref<512xi32, #tpu.memory_space<vmem>>
      %dma_wait3A_234 = tpu.memref_slice %arg4[%add3A_214] : memref<500000xi32, #tpu.memory_space<hbm>> -> memref<512xi32, #tpu.memory_space<hbm>>
      tpu.wait_dma2 semaphore(%dma_wait3A_230 : memref<!tpu.dma_semaphore, #tpu.memory_space<semaphore_mem>>) src(%dma_wait3A_234 : memref<512xi32, #tpu.memory_space<hbm>>) dst(%dma_wait3A_233 : memref<512xi32, #tpu.memory_space<vmem>>)
      %dma_wait3A_235 = arith.constant 0 : i32
      %dma_wait3A_236 = tpu.memref_slice %arg9[%rem3A_201, %dma_wait3A_235] : memref<2x512xi32, #tpu.memory_space<vmem>> -> memref<1x512xi32, #tpu.memory_space<vmem>>
      %dma_wait3A_237 = tpu.memref_squeeze %dma_wait3A_236 : memref<1x512xi32, #tpu.memory_space<vmem>> -> memref<512xi32, #tpu.memory_space<vmem>>
      %dma_wait3A_238 = tpu.memref_slice %arg5[%add3A_214] : memref<500000xi32, #tpu.memory_space<hbm>> -> memref<512xi32, #tpu.memory_space<hbm>>
      %dma_wait3A_239 = tpu.memref_slice %arg13[%rem3A_201] : memref<2x!tpu.dma_semaphore, #tpu.memory_space<semaphore_mem>> -> memref<1x!tpu.dma_semaphore, #tpu.memory_space<semaphore_mem>>
      %dma_wait3A_240 = tpu.memref_squeeze %dma_wait3A_239 : memref<1x!tpu.dma_semaphore, #tpu.memory_space<semaphore_mem>> -> memref<!tpu.dma_semaphore, #tpu.memory_space<semaphore_mem>>
      %dma_wait3A_241 = arith.constant 0 : i32
      %dma_wait3A_242 = tpu.memref_slice %arg9[%rem3A_201, %dma_wait3A_241] : memref<2x512xi32, #tpu.memory_space<vmem>> -> memref<1x512xi32, #tpu.memory_space<vmem>>
      %dma_wait3A_243 = tpu.memref_squeeze %dma_wait3A_242 : memref<1x512xi32, #tpu.memory_space<vmem>> -> memref<512xi32, #tpu.memory_space<vmem>>
      %dma_wait3A_244 = tpu.memref_slice %arg5[%add3A_214] : memref<500000xi32, #tpu.memory_space<hbm>> -> memref<512xi32, #tpu.memory_space<hbm>>
      tpu.wait_dma2 semaphore(%dma_wait3A_240 : memref<!tpu.dma_semaphore, #tpu.memory_space<semaphore_mem>>) src(%dma_wait3A_244 : memref<512xi32, #tpu.memory_space<hbm>>) dst(%dma_wait3A_243 : memref<512xi32, #tpu.memory_space<vmem>>)
      %lt3A = arith.constant 30 : i32
      %lt3A_245 = arith.cmpi slt, %add3A_199, %lt3A : i32
      %convert_element_type3A_246 = arith.extui %lt3A_245 : i1 to i32
      %cond3A_247 = arith.constant 0 : i32
      %cond3A_248 = arith.cmpi ne, %convert_element_type3A_246, %cond3A_247 : i32
      scf.if %cond3A_248 {
        %add3A_311 = arith.constant 1 : i32
        %add3A_312 = arith.addi %add3A_199, %add3A_311 : i32
        %mul3A_313 = arith.constant 512 : i32
        %mul3A_314 = arith.muli %add3A_312, %mul3A_313 : i32
        %add3A_315 = arith.addi %mul3A_22, %mul3A_314 : i32
        %dma_start3A_316 = arith.constant 0 : i32
        %dma_start3A_317 = tpu.memref_slice %arg7[%sub3A_203, %dma_start3A_316] : memref<2x512xi32, #tpu.memory_space<vmem>> -> memref<1x512xi32, #tpu.memory_space<vmem>>
        %dma_start3A_318 = tpu.memref_squeeze %dma_start3A_317 : memref<1x512xi32, #tpu.memory_space<vmem>> -> memref<512xi32, #tpu.memory_space<vmem>>
        %dma_start3A_319 = tpu.memref_slice %arg3[%add3A_315] : memref<500000xi32, #tpu.memory_space<hbm>> -> memref<512xi32, #tpu.memory_space<hbm>>
        %dma_start3A_320 = tpu.memref_slice %arg13[%sub3A_203] : memref<2x!tpu.dma_semaphore, #tpu.memory_space<semaphore_mem>> -> memref<1x!tpu.dma_semaphore, #tpu.memory_space<semaphore_mem>>
        %dma_start3A_321 = tpu.memref_squeeze %dma_start3A_320 : memref<1x!tpu.dma_semaphore, #tpu.memory_space<semaphore_mem>> -> memref<!tpu.dma_semaphore, #tpu.memory_space<semaphore_mem>>
        %dma_start3A_322 = arith.constant 0 : i32
        %dma_start3A_323 = tpu.memref_slice %arg7[%sub3A_203, %dma_start3A_322] : memref<2x512xi32, #tpu.memory_space<vmem>> -> memref<1x512xi32, #tpu.memory_space<vmem>>
        %dma_start3A_324 = tpu.memref_squeeze %dma_start3A_323 : memref<1x512xi32, #tpu.memory_space<vmem>> -> memref<512xi32, #tpu.memory_space<vmem>>
        %dma_start3A_325 = tpu.memref_slice %arg3[%add3A_315] : memref<500000xi32, #tpu.memory_space<hbm>> -> memref<512xi32, #tpu.memory_space<hbm>>
        tpu.enqueue_dma source(%dma_start3A_325 : memref<512xi32, #tpu.memory_space<hbm>>) target(%dma_start3A_324 : memref<512xi32, #tpu.memory_space<vmem>>) target_semaphore(%dma_start3A_321 : memref<!tpu.dma_semaphore, #tpu.memory_space<semaphore_mem>>)
        %dma_start3A_326 = arith.constant 0 : i32
        %dma_start3A_327 = tpu.memref_slice %arg8[%sub3A_203, %dma_start3A_326] : memref<2x512xi32, #tpu.memory_space<vmem>> -> memref<1x512xi32, #tpu.memory_space<vmem>>
        %dma_start3A_328 = tpu.memref_squeeze %dma_start3A_327 : memref<1x512xi32, #tpu.memory_space<vmem>> -> memref<512xi32, #tpu.memory_space<vmem>>
        %dma_start3A_329 = tpu.memref_slice %arg4[%add3A_315] : memref<500000xi32, #tpu.memory_space<hbm>> -> memref<512xi32, #tpu.memory_space<hbm>>
        %dma_start3A_330 = tpu.memref_slice %arg13[%sub3A_203] : memref<2x!tpu.dma_semaphore, #tpu.memory_space<semaphore_mem>> -> memref<1x!tpu.dma_semaphore, #tpu.memory_space<semaphore_mem>>
        %dma_start3A_331 = tpu.memref_squeeze %dma_start3A_330 : memref<1x!tpu.dma_semaphore, #tpu.memory_space<semaphore_mem>> -> memref<!tpu.dma_semaphore, #tpu.memory_space<semaphore_mem>>
        %dma_start3A_332 = arith.constant 0 : i32
        %dma_start3A_333 = tpu.memref_slice %arg8[%sub3A_203, %dma_start3A_332] : memref<2x512xi32, #tpu.memory_space<vmem>> -> memref<1x512xi32, #tpu.memory_space<vmem>>
        %dma_start3A_334 = tpu.memref_squeeze %dma_start3A_333 : memref<1x512xi32, #tpu.memory_space<vmem>> -> memref<512xi32, #tpu.memory_space<vmem>>
        %dma_start3A_335 = tpu.memref_slice %arg4[%add3A_315] : memref<500000xi32, #tpu.memory_space<hbm>> -> memref<512xi32, #tpu.memory_space<hbm>>
        tpu.enqueue_dma source(%dma_start3A_335 : memref<512xi32, #tpu.memory_space<hbm>>) target(%dma_start3A_334 : memref<512xi32, #tpu.memory_space<vmem>>) target_semaphore(%dma_start3A_331 : memref<!tpu.dma_semaphore, #tpu.memory_space<semaphore_mem>>)
        %dma_start3A_336 = arith.constant 0 : i32
        %dma_start3A_337 = tpu.memref_slice %arg9[%sub3A_203, %dma_start3A_336] : memref<2x512xi32, #tpu.memory_space<vmem>> -> memref<1x512xi32, #tpu.memory_space<vmem>>
        %dma_start3A_338 = tpu.memref_squeeze %dma_start3A_337 : memref<1x512xi32, #tpu.memory_space<vmem>> -> memref<512xi32, #tpu.memory_space<vmem>>
        %dma_start3A_339 = tpu.memref_slice %arg5[%add3A_315] : memref<500000xi32, #tpu.memory_space<hbm>> -> memref<512xi32, #tpu.memory_space<hbm>>
        %dma_start3A_340 = tpu.memref_slice %arg13[%sub3A_203] : memref<2x!tpu.dma_semaphore, #tpu.memory_space<semaphore_mem>> -> memref<1x!tpu.dma_semaphore, #tpu.memory_space<semaphore_mem>>
        %dma_start3A_341 = tpu.memref_squeeze %dma_start3A_340 : memref<1x!tpu.dma_semaphore, #tpu.memory_space<semaphore_mem>> -> memref<!tpu.dma_semaphore, #tpu.memory_space<semaphore_mem>>
        %dma_start3A_342 = arith.constant 0 : i32
        %dma_start3A_343 = tpu.memref_slice %arg9[%sub3A_203, %dma_start3A_342] : memref<2x512xi32, #tpu.memory_space<vmem>> -> memref<1x512xi32, #tpu.memory_space<vmem>>
        %dma_start3A_344 = tpu.memref_squeeze %dma_start3A_343 : memref<1x512xi32, #tpu.memory_space<vmem>> -> memref<512xi32, #tpu.memory_space<vmem>>
        %dma_start3A_345 = tpu.memref_slice %arg5[%add3A_315] : memref<500000xi32, #tpu.memory_space<hbm>> -> memref<512xi32, #tpu.memory_space<hbm>>
        tpu.enqueue_dma source(%dma_start3A_345 : memref<512xi32, #tpu.memory_space<hbm>>) target(%dma_start3A_344 : memref<512xi32, #tpu.memory_space<vmem>>) target_semaphore(%dma_start3A_341 : memref<!tpu.dma_semaphore, #tpu.memory_space<semaphore_mem>>)
      } else {
      }
      %scan3A_249 = arith.constant 0 : i32
      %scan3A_250 = arith.constant 32 : i32
      %scan3A_251 = arith.addi %scan3A_249, %scan3A_250 : i32
      %scan3A_252 = arith.constant 4 : i32
      scf.for %scan3A_311 = %scan3A_249 to %scan3A_251 step %scan3A_252  : i32 {
        %mul3A_312 = arith.constant 1 : i32
        %mul3A_313 = arith.muli %scan3A_311, %mul3A_312 : i32
        %add3A_314 = arith.constant 0 : i32
        %add3A_315 = arith.addi %add3A_314, %mul3A_313 : i32
        %mul3A_316 = arith.constant 16 : i32
        %mul3A_317 = arith.muli %add3A_315, %mul3A_316 : i32
        %get3A = arith.index_cast %rem3A_201 : i32 to index
        %get3A_318 = arith.index_cast %mul3A_317 : i32 to index
        %get3A_319 = tpu.vector_load %arg7[%get3A, %get3A_318] {strides = array<i32>} : memref<2x512xi32, #tpu.memory_space<vmem>>, vector<1x16xi32>,
        %get3A_320 = vector.shape_cast %get3A_319 : vector<1x16xi32> to vector<16xi32>
        %jit3A_321 = arith.constant 0 : i32
        %jit3A_322 = arith.constant 99 : i32
        %max3A = vector.broadcast %jit3A_321 : i32 to vector<16xi32>
        %max3A_323 = arith.maxsi %max3A, %get3A_320 : vector<16xi32>
        %min3A = vector.broadcast %jit3A_322 : i32 to vector<16xi32>
        %min3A_324 = arith.minsi %min3A, %max3A_323 : vector<16xi32>
        %get3A_325 = arith.index_cast %rem3A_201 : i32 to index
        %get3A_326 = arith.index_cast %mul3A_317 : i32 to index
        %get3A_327 = tpu.vector_load %arg8[%get3A_325, %get3A_326] {strides = array<i32>} : memref<2x512xi32, #tpu.memory_space<vmem>>, vector<1x16xi32>,
        %get3A_328 = vector.shape_cast %get3A_327 : vector<1x16xi32> to vector<16xi32>
        %jit3A_329 = arith.constant 0 : i32
        %jit3A_330 = arith.constant 3 : i32
        %max3A_331 = vector.broadcast %jit3A_329 : i32 to vector<16xi32>
        %max3A_332 = arith.maxsi %max3A_331, %get3A_328 : vector<16xi32>
        %min3A_333 = vector.broadcast %jit3A_330 : i32 to vector<16xi32>
        %min3A_334 = arith.minsi %min3A_333, %max3A_332 : vector<16xi32>
        %get3A_335 = arith.index_cast %rem3A_201 : i32 to index
        %get3A_336 = arith.index_cast %mul3A_317 : i32 to index
        %get3A_337 = tpu.vector_load %arg9[%get3A_335, %get3A_336] {strides = array<i32>} : memref<2x512xi32, #tpu.memory_space<vmem>>, vector<1x16xi32>,
        %get3A_338 = vector.shape_cast %get3A_337 : vector<1x16xi32> to vector<16xi32>
        %add3A_339 = arith.constant 3 : i32
        %add3A_340 = vector.broadcast %add3A_339 : i32 to vector<16xi32>
        %add3A_341 = arith.addi %get3A_338, %add3A_340 : vector<16xi32>
        %jit3A_342 = arith.constant 0 : i32
        %jit3A_343 = arith.constant 6 : i32
        %max3A_344 = vector.broadcast %jit3A_342 : i32 to vector<16xi32>
        %max3A_345 = arith.maxsi %max3A_344, %add3A_341 : vector<16xi32>
        %min3A_346 = vector.broadcast %jit3A_343 : i32 to vector<16xi32>
        %min3A_347 = arith.minsi %min3A_346, %max3A_345 : vector<16xi32>
        %mul3A_348 = arith.constant 28 : i32
        %mul3A_349 = vector.broadcast %mul3A_348 : i32 to vector<16xi32>
        %mul3A_350 = arith.muli %min3A_324, %mul3A_349 : vector<16xi32>
        %mul3A_351 = arith.constant 7 : i32
        %mul3A_352 = vector.broadcast %mul3A_351 : i32 to vector<16xi32>
        %mul3A_353 = arith.muli %min3A_334, %mul3A_352 : vector<16xi32>
        %add3A_354 = arith.addi %mul3A_350, %mul3A_353 : vector<16xi32>
        %add3A_355 = arith.addi %add3A_354, %min3A_347 : vector<16xi32>
        %swap3A = arith.index_cast %rem3A_205 : i32 to index
        %swap3A_356 = arith.index_cast %mul3A_317 : i32 to index
        %swap3A_357 = tpu.vector_load %arg10[%swap3A, %swap3A_356] {strides = array<i32>} : memref<3x512xi32, #tpu.memory_space<vmem>>, vector<1x16xi32>,
        %swap3A_358 = vector.shape_cast %swap3A_357 : vector<1x16xi32> to vector<16xi32>
        %swap3A_359 = vector.shape_cast %add3A_355 : vector<16xi32> to vector<1x16xi32>
        tpu.vector_store %arg10[%swap3A, %swap3A_356], %swap3A_359 {strides = array<i32>} : memref<3x512xi32, #tpu.memory_space<vmem>>, vector<1x16xi32>,
        %scan3A_360 = arith.constant 1 : i32
        %scan3A_361 = arith.addi %scan3A_311, %scan3A_360 : i32
        %mul3A_362 = arith.constant 1 : i32
        %mul3A_363 = arith.muli %scan3A_361, %mul3A_362 : i32
        %add3A_364 = arith.constant 0 : i32
        %add3A_365 = arith.addi %add3A_364, %mul3A_363 : i32
        %mul3A_366 = arith.constant 16 : i32
        %mul3A_367 = arith.muli %add3A_365, %mul3A_366 : i32
        %get3A_368 = arith.index_cast %rem3A_201 : i32 to index
        %get3A_369 = arith.index_cast %mul3A_367 : i32 to index
        %get3A_370 = tpu.vector_load %arg7[%get3A_368, %get3A_369] {strides = array<i32>} : memref<2x512xi32, #tpu.memory_space<vmem>>, vector<1x16xi32>,
        %get3A_371 = vector.shape_cast %get3A_370 : vector<1x16xi32> to vector<16xi32>
        %jit3A_372 = arith.constant 0 : i32
        %jit3A_373 = arith.constant 99 : i32
        %max3A_374 = vector.broadcast %jit3A_372 : i32 to vector<16xi32>
        %max3A_375 = arith.maxsi %max3A_374, %get3A_371 : vector<16xi32>
        %min3A_376 = vector.broadcast %jit3A_373 : i32 to vector<16xi32>
        %min3A_377 = arith.minsi %min3A_376, %max3A_375 : vector<16xi32>
        %get3A_378 = arith.index_cast %rem3A_201 : i32 to index
        %get3A_379 = arith.index_cast %mul3A_367 : i32 to index
        %get3A_380 = tpu.vector_load %arg8[%get3A_378, %get3A_379] {strides = array<i32>} : memref<2x512xi32, #tpu.memory_space<vmem>>, vector<1x16xi32>,
        %get3A_381 = vector.shape_cast %get3A_380 : vector<1x16xi32> to vector<16xi32>
        %jit3A_382 = arith.constant 0 : i32
        %jit3A_383 = arith.constant 3 : i32
        %max3A_384 = vector.broadcast %jit3A_382 : i32 to vector<16xi32>
        %max3A_385 = arith.maxsi %max3A_384, %get3A_381 : vector<16xi32>
        %min3A_386 = vector.broadcast %jit3A_383 : i32 to vector<16xi32>
        %min3A_387 = arith.minsi %min3A_386, %max3A_385 : vector<16xi32>
        %get3A_388 = arith.index_cast %rem3A_201 : i32 to index
        %get3A_389 = arith.index_cast %mul3A_367 : i32 to index
        %get3A_390 = tpu.vector_load %arg9[%get3A_388, %get3A_389] {strides = array<i32>} : memref<2x512xi32, #tpu.memory_space<vmem>>, vector<1x16xi32>,
        %get3A_391 = vector.shape_cast %get3A_390 : vector<1x16xi32> to vector<16xi32>
        %add3A_392 = arith.constant 3 : i32
        %add3A_393 = vector.broadcast %add3A_392 : i32 to vector<16xi32>
        %add3A_394 = arith.addi %get3A_391, %add3A_393 : vector<16xi32>
        %jit3A_395 = arith.constant 0 : i32
        %jit3A_396 = arith.constant 6 : i32
        %max3A_397 = vector.broadcast %jit3A_395 : i32 to vector<16xi32>
        %max3A_398 = arith.maxsi %max3A_397, %add3A_394 : vector<16xi32>
        %min3A_399 = vector.broadcast %jit3A_396 : i32 to vector<16xi32>
        %min3A_400 = arith.minsi %min3A_399, %max3A_398 : vector<16xi32>
        %mul3A_401 = arith.constant 28 : i32
        %mul3A_402 = vector.broadcast %mul3A_401 : i32 to vector<16xi32>
        %mul3A_403 = arith.muli %min3A_377, %mul3A_402 : vector<16xi32>
        %mul3A_404 = arith.constant 7 : i32
        %mul3A_405 = vector.broadcast %mul3A_404 : i32 to vector<16xi32>
        %mul3A_406 = arith.muli %min3A_387, %mul3A_405 : vector<16xi32>
        %add3A_407 = arith.addi %mul3A_403, %mul3A_406 : vector<16xi32>
        %add3A_408 = arith.addi %add3A_407, %min3A_400 : vector<16xi32>
        %swap3A_409 = arith.index_cast %rem3A_205 : i32 to index
        %swap3A_410 = arith.index_cast %mul3A_367 : i32 to index
        %swap3A_411 = tpu.vector_load %arg10[%swap3A_409, %swap3A_410] {strides = array<i32>} : memref<3x512xi32, #tpu.memory_space<vmem>>, vector<1x16xi32>,
        %swap3A_412 = vector.shape_cast %swap3A_411 : vector<1x16xi32> to vector<16xi32>
        %swap3A_413 = vector.shape_cast %add3A_408 : vector<16xi32> to vector<1x16xi32>
        tpu.vector_store %arg10[%swap3A_409, %swap3A_410], %swap3A_413 {strides = array<i32>} : memref<3x512xi32, #tpu.memory_space<vmem>>, vector<1x16xi32>,
        %scan3A_414 = arith.constant 2 : i32
        %scan3A_415 = arith.addi %scan3A_311, %scan3A_414 : i32
        %mul3A_416 = arith.constant 1 : i32
        %mul3A_417 = arith.muli %scan3A_415, %mul3A_416 : i32
        %add3A_418 = arith.constant 0 : i32
        %add3A_419 = arith.addi %add3A_418, %mul3A_417 : i32
        %mul3A_420 = arith.constant 16 : i32
        %mul3A_421 = arith.muli %add3A_419, %mul3A_420 : i32
        %get3A_422 = arith.index_cast %rem3A_201 : i32 to index
        %get3A_423 = arith.index_cast %mul3A_421 : i32 to index
        %get3A_424 = tpu.vector_load %arg7[%get3A_422, %get3A_423] {strides = array<i32>} : memref<2x512xi32, #tpu.memory_space<vmem>>, vector<1x16xi32>,
        %get3A_425 = vector.shape_cast %get3A_424 : vector<1x16xi32> to vector<16xi32>
        %jit3A_426 = arith.constant 0 : i32
        %jit3A_427 = arith.constant 99 : i32
        %max3A_428 = vector.broadcast %jit3A_426 : i32 to vector<16xi32>
        %max3A_429 = arith.maxsi %max3A_428, %get3A_425 : vector<16xi32>
        %min3A_430 = vector.broadcast %jit3A_427 : i32 to vector<16xi32>
        %min3A_431 = arith.minsi %min3A_430, %max3A_429 : vector<16xi32>
        %get3A_432 = arith.index_cast %rem3A_201 : i32 to index
        %get3A_433 = arith.index_cast %mul3A_421 : i32 to index
        %get3A_434 = tpu.vector_load %arg8[%get3A_432, %get3A_433] {strides = array<i32>} : memref<2x512xi32, #tpu.memory_space<vmem>>, vector<1x16xi32>,
        %get3A_435 = vector.shape_cast %get3A_434 : vector<1x16xi32> to vector<16xi32>
        %jit3A_436 = arith.constant 0 : i32
        %jit3A_437 = arith.constant 3 : i32
        %max3A_438 = vector.broadcast %jit3A_436 : i32 to vector<16xi32>
        %max3A_439 = arith.maxsi %max3A_438, %get3A_435 : vector<16xi32>
        %min3A_440 = vector.broadcast %jit3A_437 : i32 to vector<16xi32>
        %min3A_441 = arith.minsi %min3A_440, %max3A_439 : vector<16xi32>
        %get3A_442 = arith.index_cast %rem3A_201 : i32 to index
        %get3A_443 = arith.index_cast %mul3A_421 : i32 to index
        %get3A_444 = tpu.vector_load %arg9[%get3A_442, %get3A_443] {strides = array<i32>} : memref<2x512xi32, #tpu.memory_space<vmem>>, vector<1x16xi32>,
        %get3A_445 = vector.shape_cast %get3A_444 : vector<1x16xi32> to vector<16xi32>
        %add3A_446 = arith.constant 3 : i32
        %add3A_447 = vector.broadcast %add3A_446 : i32 to vector<16xi32>
        %add3A_448 = arith.addi %get3A_445, %add3A_447 : vector<16xi32>
        %jit3A_449 = arith.constant 0 : i32
        %jit3A_450 = arith.constant 6 : i32
        %max3A_451 = vector.broadcast %jit3A_449 : i32 to vector<16xi32>
        %max3A_452 = arith.maxsi %max3A_451, %add3A_448 : vector<16xi32>
        %min3A_453 = vector.broadcast %jit3A_450 : i32 to vector<16xi32>
        %min3A_454 = arith.minsi %min3A_453, %max3A_452 : vector<16xi32>
        %mul3A_455 = arith.constant 28 : i32
        %mul3A_456 = vector.broadcast %mul3A_455 : i32 to vector<16xi32>
        %mul3A_457 = arith.muli %min3A_431, %mul3A_456 : vector<16xi32>
        %mul3A_458 = arith.constant 7 : i32
        %mul3A_459 = vector.broadcast %mul3A_458 : i32 to vector<16xi32>
        %mul3A_460 = arith.muli %min3A_441, %mul3A_459 : vector<16xi32>
        %add3A_461 = arith.addi %mul3A_457, %mul3A_460 : vector<16xi32>
        %add3A_462 = arith.addi %add3A_461, %min3A_454 : vector<16xi32>
        %swap3A_463 = arith.index_cast %rem3A_205 : i32 to index
        %swap3A_464 = arith.index_cast %mul3A_421 : i32 to index
        %swap3A_465 = tpu.vector_load %arg10[%swap3A_463, %swap3A_464] {strides = array<i32>} : memref<3x512xi32, #tpu.memory_space<vmem>>, vector<1x16xi32>,
        %swap3A_466 = vector.shape_cast %swap3A_465 : vector<1x16xi32> to vector<16xi32>
        %swap3A_467 = vector.shape_cast %add3A_462 : vector<16xi32> to vector<1x16xi32>
        tpu.vector_store %arg10[%swap3A_463, %swap3A_464], %swap3A_467 {strides = array<i32>} : memref<3x512xi32, #tpu.memory_space<vmem>>, vector<1x16xi32>,
        %scan3A_468 = arith.constant 3 : i32
        %scan3A_469 = arith.addi %scan3A_311, %scan3A_468 : i32
        %mul3A_470 = arith.constant 1 : i32
        %mul3A_471 = arith.muli %scan3A_469, %mul3A_470 : i32
        %add3A_472 = arith.constant 0 : i32
        %add3A_473 = arith.addi %add3A_472, %mul3A_471 : i32
        %mul3A_474 = arith.constant 16 : i32
        %mul3A_475 = arith.muli %add3A_473, %mul3A_474 : i32
        %get3A_476 = arith.index_cast %rem3A_201 : i32 to index
        %get3A_477 = arith.index_cast %mul3A_475 : i32 to index
        %get3A_478 = tpu.vector_load %arg7[%get3A_476, %get3A_477] {strides = array<i32>} : memref<2x512xi32, #tpu.memory_space<vmem>>, vector<1x16xi32>,
        %get3A_479 = vector.shape_cast %get3A_478 : vector<1x16xi32> to vector<16xi32>
        %jit3A_480 = arith.constant 0 : i32
        %jit3A_481 = arith.constant 99 : i32
        %max3A_482 = vector.broadcast %jit3A_480 : i32 to vector<16xi32>
        %max3A_483 = arith.maxsi %max3A_482, %get3A_479 : vector<16xi32>
        %min3A_484 = vector.broadcast %jit3A_481 : i32 to vector<16xi32>
        %min3A_485 = arith.minsi %min3A_484, %max3A_483 : vector<16xi32>
        %get3A_486 = arith.index_cast %rem3A_201 : i32 to index
        %get3A_487 = arith.index_cast %mul3A_475 : i32 to index
        %get3A_488 = tpu.vector_load %arg8[%get3A_486, %get3A_487] {strides = array<i32>} : memref<2x512xi32, #tpu.memory_space<vmem>>, vector<1x16xi32>,
        %get3A_489 = vector.shape_cast %get3A_488 : vector<1x16xi32> to vector<16xi32>
        %jit3A_490 = arith.constant 0 : i32
        %jit3A_491 = arith.constant 3 : i32
        %max3A_492 = vector.broadcast %jit3A_490 : i32 to vector<16xi32>
        %max3A_493 = arith.maxsi %max3A_492, %get3A_489 : vector<16xi32>
        %min3A_494 = vector.broadcast %jit3A_491 : i32 to vector<16xi32>
        %min3A_495 = arith.minsi %min3A_494, %max3A_493 : vector<16xi32>
        %get3A_496 = arith.index_cast %rem3A_201 : i32 to index
        %get3A_497 = arith.index_cast %mul3A_475 : i32 to index
        %get3A_498 = tpu.vector_load %arg9[%get3A_496, %get3A_497] {strides = array<i32>} : memref<2x512xi32, #tpu.memory_space<vmem>>, vector<1x16xi32>,
        %get3A_499 = vector.shape_cast %get3A_498 : vector<1x16xi32> to vector<16xi32>
        %add3A_500 = arith.constant 3 : i32
        %add3A_501 = vector.broadcast %add3A_500 : i32 to vector<16xi32>
        %add3A_502 = arith.addi %get3A_499, %add3A_501 : vector<16xi32>
        %jit3A_503 = arith.constant 0 : i32
        %jit3A_504 = arith.constant 6 : i32
        %max3A_505 = vector.broadcast %jit3A_503 : i32 to vector<16xi32>
        %max3A_506 = arith.maxsi %max3A_505, %add3A_502 : vector<16xi32>
        %min3A_507 = vector.broadcast %jit3A_504 : i32 to vector<16xi32>
        %min3A_508 = arith.minsi %min3A_507, %max3A_506 : vector<16xi32>
        %mul3A_509 = arith.constant 28 : i32
        %mul3A_510 = vector.broadcast %mul3A_509 : i32 to vector<16xi32>
        %mul3A_511 = arith.muli %min3A_485, %mul3A_510 : vector<16xi32>
        %mul3A_512 = arith.constant 7 : i32
        %mul3A_513 = vector.broadcast %mul3A_512 : i32 to vector<16xi32>
        %mul3A_514 = arith.muli %min3A_495, %mul3A_513 : vector<16xi32>
        %add3A_515 = arith.addi %mul3A_511, %mul3A_514 : vector<16xi32>
        %add3A_516 = arith.addi %add3A_515, %min3A_508 : vector<16xi32>
        %swap3A_517 = arith.index_cast %rem3A_205 : i32 to index
        %swap3A_518 = arith.index_cast %mul3A_475 : i32 to index
        %swap3A_519 = tpu.vector_load %arg10[%swap3A_517, %swap3A_518] {strides = array<i32>} : memref<3x512xi32, #tpu.memory_space<vmem>>, vector<1x16xi32>,
        %swap3A_520 = vector.shape_cast %swap3A_519 : vector<1x16xi32> to vector<16xi32>
        %swap3A_521 = vector.shape_cast %add3A_516 : vector<16xi32> to vector<1x16xi32>
        tpu.vector_store %arg10[%swap3A_517, %swap3A_518], %swap3A_521 {strides = array<i32>} : memref<3x512xi32, #tpu.memory_space<vmem>>, vector<1x16xi32>,
      }
      %scan3A_253 = arith.constant 32 : i32
      %ge3A = arith.constant 3 : i32
      %ge3A_254 = arith.cmpi sge, %add3A_199, %ge3A : i32
      %convert_element_type3A_255 = arith.extui %ge3A_254 : i1 to i32
      %cond3A_256 = arith.constant 0 : i32
      %cond3A_257 = arith.cmpi ne, %convert_element_type3A_255, %cond3A_256 : i32
      scf.if %cond3A_257 {
        %sub3A_311 = arith.constant 3 : i32
        %sub3A_312 = arith.subi %add3A_199, %sub3A_311 : i32
        %mul3A_313 = arith.constant 512 : i32
        %mul3A_314 = arith.muli %sub3A_312, %mul3A_313 : i32
        %add3A_315 = arith.addi %mul3A_22, %mul3A_314 : i32
        %dma_wait3A_316 = arith.constant 0 : i32
        %dma_wait3A_317 = arith.constant 0 : i32
        %dma_wait3A_318 = tpu.memref_slice %arg11[%rem3A_205, %dma_wait3A_316, %dma_wait3A_317] : memref<3x512x64xf32, #tpu.memory_space<vmem>> -> memref<1x512x64xf32, #tpu.memory_space<vmem>>
        %dma_wait3A_319 = tpu.memref_squeeze %dma_wait3A_318 : memref<1x512x64xf32, #tpu.memory_space<vmem>> -> memref<512x64xf32, #tpu.memory_space<vmem>>
        %dma_wait3A_320 = arith.constant 0 : i32
        %dma_wait3A_321 = tpu.memref_slice %arg6[%add3A_315, %dma_wait3A_320] : memref<500000x64xf32, #tpu.memory_space<hbm>> -> memref<512x64xf32, #tpu.memory_space<hbm>>
        %dma_wait3A_322 = tpu.memref_slice %arg15[%rem3A_205] : memref<3x!tpu.dma_semaphore, #tpu.memory_space<semaphore_mem>> -> memref<1x!tpu.dma_semaphore, #tpu.memory_space<semaphore_mem>>
        %dma_wait3A_323 = tpu.memref_squeeze %dma_wait3A_322 : memref<1x!tpu.dma_semaphore, #tpu.memory_space<semaphore_mem>> -> memref<!tpu.dma_semaphore, #tpu.memory_space<semaphore_mem>>
        %dma_wait3A_324 = arith.constant 0 : i32
        %dma_wait3A_325 = tpu.memref_slice %arg6[%add3A_315, %dma_wait3A_324] : memref<500000x64xf32, #tpu.memory_space<hbm>> -> memref<512x64xf32, #tpu.memory_space<hbm>>
        %dma_wait3A_326 = arith.constant 0 : i32
        %dma_wait3A_327 = arith.constant 0 : i32
        %dma_wait3A_328 = tpu.memref_slice %arg11[%rem3A_205, %dma_wait3A_326, %dma_wait3A_327] : memref<3x512x64xf32, #tpu.memory_space<vmem>> -> memref<1x512x64xf32, #tpu.memory_space<vmem>>
        %dma_wait3A_329 = tpu.memref_squeeze %dma_wait3A_328 : memref<1x512x64xf32, #tpu.memory_space<vmem>> -> memref<512x64xf32, #tpu.memory_space<vmem>>
        tpu.wait_dma2 semaphore(%dma_wait3A_323 : memref<!tpu.dma_semaphore, #tpu.memory_space<semaphore_mem>>) src(%dma_wait3A_329 : memref<512x64xf32, #tpu.memory_space<vmem>>) dst(%dma_wait3A_325 : memref<512x64xf32, #tpu.memory_space<hbm>>)
      } else {
      }
      %dma_start3A_258 = arith.constant 0 : i32
      %dma_start3A_259 = arith.constant 0 : i32
      %dma_start3A_260 = tpu.memref_slice %arg11[%rem3A_205, %dma_start3A_258, %dma_start3A_259] : memref<3x512x64xf32, #tpu.memory_space<vmem>> -> memref<1x128x64xf32, #tpu.memory_space<vmem>>
      %dma_start3A_261 = tpu.memref_squeeze %dma_start3A_260 : memref<1x128x64xf32, #tpu.memory_space<vmem>> -> memref<128x64xf32, #tpu.memory_space<vmem>>
      %dma_start3A_262 = arith.constant 0 : i32
      %dma_start3A_263 = tpu.memref_slice %arg10[%rem3A_205, %dma_start3A_262] : memref<3x512xi32, #tpu.memory_space<vmem>> -> memref<1x128xi32, #tpu.memory_space<vmem>>
      %dma_start3A_264 = tpu.memref_squeeze %dma_start3A_263 : memref<1x128xi32, #tpu.memory_space<vmem>> -> memref<128xi32, #tpu.memory_space<vmem>>
      %dma_start3A_265 = arith.constant 0 : i32
      %dma_start3A_266 = arith.constant 0 : i32
      %dma_start3A_267 = tpu.memref_slice %arg12[%dma_start3A_265, %dma_start3A_266] : memref<2800x64xf32, #tpu.memory_space<vmem_shared>> -> memref<2800x64xf32, #tpu.memory_space<vmem_shared>>
      %dma_start3A_268 = tpu.memref_slice %arg14[%rem3A_205] : memref<3x!tpu.dma_semaphore, #tpu.memory_space<semaphore_mem>> -> memref<1x!tpu.dma_semaphore, #tpu.memory_space<semaphore_mem>>
      %dma_start3A_269 = tpu.memref_squeeze %dma_start3A_268 : memref<1x!tpu.dma_semaphore, #tpu.memory_space<semaphore_mem>> -> memref<!tpu.dma_semaphore, #tpu.memory_space<semaphore_mem>>
      tpu.enqueue_indirect_dma source(%dma_start3A_267 : memref<2800x64xf32, #tpu.memory_space<vmem_shared>>) target(%dma_start3A_261 : memref<128x64xf32, #tpu.memory_space<vmem>>) offsets(%dma_start3A_264 : memref<128xi32, #tpu.memory_space<vmem>>) semaphore(%dma_start3A_269 : memref<!tpu.dma_semaphore, #tpu.memory_space<semaphore_mem>>)
      %dma_start3A_270 = arith.constant 128 : i32
      %dma_start3A_271 = arith.constant 0 : i32
      %dma_start3A_272 = tpu.memref_slice %arg11[%rem3A_205, %dma_start3A_270, %dma_start3A_271] : memref<3x512x64xf32, #tpu.memory_space<vmem>> -> memref<1x128x64xf32, #tpu.memory_space<vmem>>
      %dma_start3A_273 = tpu.memref_squeeze %dma_start3A_272 : memref<1x128x64xf32, #tpu.memory_space<vmem>> -> memref<128x64xf32, #tpu.memory_space<vmem>>
      %dma_start3A_274 = arith.constant 128 : i32
      %dma_start3A_275 = tpu.memref_slice %arg10[%rem3A_205, %dma_start3A_274] : memref<3x512xi32, #tpu.memory_space<vmem>> -> memref<1x128xi32, #tpu.memory_space<vmem>>
      %dma_start3A_276 = tpu.memref_squeeze %dma_start3A_275 : memref<1x128xi32, #tpu.memory_space<vmem>> -> memref<128xi32, #tpu.memory_space<vmem>>
      %dma_start3A_277 = arith.constant 0 : i32
      %dma_start3A_278 = arith.constant 0 : i32
      %dma_start3A_279 = tpu.memref_slice %arg12[%dma_start3A_277, %dma_start3A_278] : memref<2800x64xf32, #tpu.memory_space<vmem_shared>> -> memref<2800x64xf32, #tpu.memory_space<vmem_shared>>
      %dma_start3A_280 = tpu.memref_slice %arg14[%rem3A_205] : memref<3x!tpu.dma_semaphore, #tpu.memory_space<semaphore_mem>> -> memref<1x!tpu.dma_semaphore, #tpu.memory_space<semaphore_mem>>
      %dma_start3A_281 = tpu.memref_squeeze %dma_start3A_280 : memref<1x!tpu.dma_semaphore, #tpu.memory_space<semaphore_mem>> -> memref<!tpu.dma_semaphore, #tpu.memory_space<semaphore_mem>>
      tpu.enqueue_indirect_dma source(%dma_start3A_279 : memref<2800x64xf32, #tpu.memory_space<vmem_shared>>) target(%dma_start3A_273 : memref<128x64xf32, #tpu.memory_space<vmem>>) offsets(%dma_start3A_276 : memref<128xi32, #tpu.memory_space<vmem>>) semaphore(%dma_start3A_281 : memref<!tpu.dma_semaphore, #tpu.memory_space<semaphore_mem>>)
      %dma_start3A_282 = arith.constant 256 : i32
      %dma_start3A_283 = arith.constant 0 : i32
      %dma_start3A_284 = tpu.memref_slice %arg11[%rem3A_205, %dma_start3A_282, %dma_start3A_283] : memref<3x512x64xf32, #tpu.memory_space<vmem>> -> memref<1x128x64xf32, #tpu.memory_space<vmem>>
      %dma_start3A_285 = tpu.memref_squeeze %dma_start3A_284 : memref<1x128x64xf32, #tpu.memory_space<vmem>> -> memref<128x64xf32, #tpu.memory_space<vmem>>
      %dma_start3A_286 = arith.constant 256 : i32
      %dma_start3A_287 = tpu.memref_slice %arg10[%rem3A_205, %dma_start3A_286] : memref<3x512xi32, #tpu.memory_space<vmem>> -> memref<1x128xi32, #tpu.memory_space<vmem>>
      %dma_start3A_288 = tpu.memref_squeeze %dma_start3A_287 : memref<1x128xi32, #tpu.memory_space<vmem>> -> memref<128xi32, #tpu.memory_space<vmem>>
      %dma_start3A_289 = arith.constant 0 : i32
      %dma_start3A_290 = arith.constant 0 : i32
      %dma_start3A_291 = tpu.memref_slice %arg12[%dma_start3A_289, %dma_start3A_290] : memref<2800x64xf32, #tpu.memory_space<vmem_shared>> -> memref<2800x64xf32, #tpu.memory_space<vmem_shared>>
      %dma_start3A_292 = tpu.memref_slice %arg14[%rem3A_205] : memref<3x!tpu.dma_semaphore, #tpu.memory_space<semaphore_mem>> -> memref<1x!tpu.dma_semaphore, #tpu.memory_space<semaphore_mem>>
      %dma_start3A_293 = tpu.memref_squeeze %dma_start3A_292 : memref<1x!tpu.dma_semaphore, #tpu.memory_space<semaphore_mem>> -> memref<!tpu.dma_semaphore, #tpu.memory_space<semaphore_mem>>
      tpu.enqueue_indirect_dma source(%dma_start3A_291 : memref<2800x64xf32, #tpu.memory_space<vmem_shared>>) target(%dma_start3A_285 : memref<128x64xf32, #tpu.memory_space<vmem>>) offsets(%dma_start3A_288 : memref<128xi32, #tpu.memory_space<vmem>>) semaphore(%dma_start3A_293 : memref<!tpu.dma_semaphore, #tpu.memory_space<semaphore_mem>>)
      %dma_start3A_294 = arith.constant 384 : i32
      %dma_start3A_295 = arith.constant 0 : i32
      %dma_start3A_296 = tpu.memref_slice %arg11[%rem3A_205, %dma_start3A_294, %dma_start3A_295] : memref<3x512x64xf32, #tpu.memory_space<vmem>> -> memref<1x128x64xf32, #tpu.memory_space<vmem>>
      %dma_start3A_297 = tpu.memref_squeeze %dma_start3A_296 : memref<1x128x64xf32, #tpu.memory_space<vmem>> -> memref<128x64xf32, #tpu.memory_space<vmem>>
      %dma_start3A_298 = arith.constant 384 : i32
      %dma_start3A_299 = tpu.memref_slice %arg10[%rem3A_205, %dma_start3A_298] : memref<3x512xi32, #tpu.memory_space<vmem>> -> memref<1x128xi32, #tpu.memory_space<vmem>>
      %dma_start3A_300 = tpu.memref_squeeze %dma_start3A_299 : memref<1x128xi32, #tpu.memory_space<vmem>> -> memref<128xi32, #tpu.memory_space<vmem>>
      %dma_start3A_301 = arith.constant 0 : i32
      %dma_start3A_302 = arith.constant 0 : i32
      %dma_start3A_303 = tpu.memref_slice %arg12[%dma_start3A_301, %dma_start3A_302] : memref<2800x64xf32, #tpu.memory_space<vmem_shared>> -> memref<2800x64xf32, #tpu.memory_space<vmem_shared>>
      %dma_start3A_304 = tpu.memref_slice %arg14[%rem3A_205] : memref<3x!tpu.dma_semaphore, #tpu.memory_space<semaphore_mem>> -> memref<1x!tpu.dma_semaphore, #tpu.memory_space<semaphore_mem>>
      %dma_start3A_305 = tpu.memref_squeeze %dma_start3A_304 : memref<1x!tpu.dma_semaphore, #tpu.memory_space<semaphore_mem>> -> memref<!tpu.dma_semaphore, #tpu.memory_space<semaphore_mem>>
      tpu.enqueue_indirect_dma source(%dma_start3A_303 : memref<2800x64xf32, #tpu.memory_space<vmem_shared>>) target(%dma_start3A_297 : memref<128x64xf32, #tpu.memory_space<vmem>>) offsets(%dma_start3A_300 : memref<128xi32, #tpu.memory_space<vmem>>) semaphore(%dma_start3A_305 : memref<!tpu.dma_semaphore, #tpu.memory_space<semaphore_mem>>)
      %ge3A_306 = arith.constant 1 : i32
      %ge3A_307 = arith.cmpi sge, %add3A_199, %ge3A_306 : i32
      %convert_element_type3A_308 = arith.extui %ge3A_307 : i1 to i32
      %cond3A_309 = arith.constant 0 : i32
      %cond3A_310 = arith.cmpi ne, %convert_element_type3A_308, %cond3A_309 : i32
      scf.if %cond3A_310 {
        %dma_wait3A_311 = arith.constant 0 : i32
        %dma_wait3A_312 = arith.constant 0 : i32
        %dma_wait3A_313 = tpu.memref_slice %arg11[%rem3A_211, %dma_wait3A_311, %dma_wait3A_312] : memref<3x512x64xf32, #tpu.memory_space<vmem>> -> memref<1x128x64xf32, #tpu.memory_space<vmem>>
        %dma_wait3A_314 = tpu.memref_squeeze %dma_wait3A_313 : memref<1x128x64xf32, #tpu.memory_space<vmem>> -> memref<128x64xf32, #tpu.memory_space<vmem>>
        %dma_wait3A_315 = arith.constant 0 : i32
        %dma_wait3A_316 = tpu.memref_slice %arg10[%rem3A_211, %dma_wait3A_315] : memref<3x512xi32, #tpu.memory_space<vmem>> -> memref<1x128xi32, #tpu.memory_space<vmem>>
        %dma_wait3A_317 = tpu.memref_squeeze %dma_wait3A_316 : memref<1x128xi32, #tpu.memory_space<vmem>> -> memref<128xi32, #tpu.memory_space<vmem>>
        %dma_wait3A_318 = arith.constant 0 : i32
        %dma_wait3A_319 = arith.constant 0 : i32
        %dma_wait3A_320 = tpu.memref_slice %arg12[%dma_wait3A_318, %dma_wait3A_319] : memref<2800x64xf32, #tpu.memory_space<vmem_shared>> -> memref<2800x64xf32, #tpu.memory_space<vmem_shared>>
        %dma_wait3A_321 = tpu.memref_slice %arg14[%rem3A_211] : memref<3x!tpu.dma_semaphore, #tpu.memory_space<semaphore_mem>> -> memref<1x!tpu.dma_semaphore, #tpu.memory_space<semaphore_mem>>
        %dma_wait3A_322 = tpu.memref_squeeze %dma_wait3A_321 : memref<1x!tpu.dma_semaphore, #tpu.memory_space<semaphore_mem>> -> memref<!tpu.dma_semaphore, #tpu.memory_space<semaphore_mem>>
        tpu.wait_indirect_dma semaphore(%dma_wait3A_322 : memref<!tpu.dma_semaphore, #tpu.memory_space<semaphore_mem>>) src(%dma_wait3A_320 : memref<2800x64xf32, #tpu.memory_space<vmem_shared>>) dst(%dma_wait3A_314 : memref<128x64xf32, #tpu.memory_space<vmem>>)
        %dma_wait3A_323 = arith.constant 128 : i32
        %dma_wait3A_324 = arith.constant 0 : i32
        %dma_wait3A_325 = tpu.memref_slice %arg11[%rem3A_211, %dma_wait3A_323, %dma_wait3A_324] : memref<3x512x64xf32, #tpu.memory_space<vmem>> -> memref<1x128x64xf32, #tpu.memory_space<vmem>>
        %dma_wait3A_326 = tpu.memref_squeeze %dma_wait3A_325 : memref<1x128x64xf32, #tpu.memory_space<vmem>> -> memref<128x64xf32, #tpu.memory_space<vmem>>
        %dma_wait3A_327 = arith.constant 128 : i32
        %dma_wait3A_328 = tpu.memref_slice %arg10[%rem3A_211, %dma_wait3A_327] : memref<3x512xi32, #tpu.memory_space<vmem>> -> memref<1x128xi32, #tpu.memory_space<vmem>>
        %dma_wait3A_329 = tpu.memref_squeeze %dma_wait3A_328 : memref<1x128xi32, #tpu.memory_space<vmem>> -> memref<128xi32, #tpu.memory_space<vmem>>
        %dma_wait3A_330 = arith.constant 0 : i32
        %dma_wait3A_331 = arith.constant 0 : i32
        %dma_wait3A_332 = tpu.memref_slice %arg12[%dma_wait3A_330, %dma_wait3A_331] : memref<2800x64xf32, #tpu.memory_space<vmem_shared>> -> memref<2800x64xf32, #tpu.memory_space<vmem_shared>>
        %dma_wait3A_333 = tpu.memref_slice %arg14[%rem3A_211] : memref<3x!tpu.dma_semaphore, #tpu.memory_space<semaphore_mem>> -> memref<1x!tpu.dma_semaphore, #tpu.memory_space<semaphore_mem>>
        %dma_wait3A_334 = tpu.memref_squeeze %dma_wait3A_333 : memref<1x!tpu.dma_semaphore, #tpu.memory_space<semaphore_mem>> -> memref<!tpu.dma_semaphore, #tpu.memory_space<semaphore_mem>>
        tpu.wait_indirect_dma semaphore(%dma_wait3A_334 : memref<!tpu.dma_semaphore, #tpu.memory_space<semaphore_mem>>) src(%dma_wait3A_332 : memref<2800x64xf32, #tpu.memory_space<vmem_shared>>) dst(%dma_wait3A_326 : memref<128x64xf32, #tpu.memory_space<vmem>>)
        %dma_wait3A_335 = arith.constant 256 : i32
        %dma_wait3A_336 = arith.constant 0 : i32
        %dma_wait3A_337 = tpu.memref_slice %arg11[%rem3A_211, %dma_wait3A_335, %dma_wait3A_336] : memref<3x512x64xf32, #tpu.memory_space<vmem>> -> memref<1x128x64xf32, #tpu.memory_space<vmem>>
        %dma_wait3A_338 = tpu.memref_squeeze %dma_wait3A_337 : memref<1x128x64xf32, #tpu.memory_space<vmem>> -> memref<128x64xf32, #tpu.memory_space<vmem>>
        %dma_wait3A_339 = arith.constant 256 : i32
        %dma_wait3A_340 = tpu.memref_slice %arg10[%rem3A_211, %dma_wait3A_339] : memref<3x512xi32, #tpu.memory_space<vmem>> -> memref<1x128xi32, #tpu.memory_space<vmem>>
        %dma_wait3A_341 = tpu.memref_squeeze %dma_wait3A_340 : memref<1x128xi32, #tpu.memory_space<vmem>> -> memref<128xi32, #tpu.memory_space<vmem>>
        %dma_wait3A_342 = arith.constant 0 : i32
        %dma_wait3A_343 = arith.constant 0 : i32
        %dma_wait3A_344 = tpu.memref_slice %arg12[%dma_wait3A_342, %dma_wait3A_343] : memref<2800x64xf32, #tpu.memory_space<vmem_shared>> -> memref<2800x64xf32, #tpu.memory_space<vmem_shared>>
        %dma_wait3A_345 = tpu.memref_slice %arg14[%rem3A_211] : memref<3x!tpu.dma_semaphore, #tpu.memory_space<semaphore_mem>> -> memref<1x!tpu.dma_semaphore, #tpu.memory_space<semaphore_mem>>
        %dma_wait3A_346 = tpu.memref_squeeze %dma_wait3A_345 : memref<1x!tpu.dma_semaphore, #tpu.memory_space<semaphore_mem>> -> memref<!tpu.dma_semaphore, #tpu.memory_space<semaphore_mem>>
        tpu.wait_indirect_dma semaphore(%dma_wait3A_346 : memref<!tpu.dma_semaphore, #tpu.memory_space<semaphore_mem>>) src(%dma_wait3A_344 : memref<2800x64xf32, #tpu.memory_space<vmem_shared>>) dst(%dma_wait3A_338 : memref<128x64xf32, #tpu.memory_space<vmem>>)
        %dma_wait3A_347 = arith.constant 384 : i32
        %dma_wait3A_348 = arith.constant 0 : i32
        %dma_wait3A_349 = tpu.memref_slice %arg11[%rem3A_211, %dma_wait3A_347, %dma_wait3A_348] : memref<3x512x64xf32, #tpu.memory_space<vmem>> -> memref<1x128x64xf32, #tpu.memory_space<vmem>>
        %dma_wait3A_350 = tpu.memref_squeeze %dma_wait3A_349 : memref<1x128x64xf32, #tpu.memory_space<vmem>> -> memref<128x64xf32, #tpu.memory_space<vmem>>
        %dma_wait3A_351 = arith.constant 384 : i32
        %dma_wait3A_352 = tpu.memref_slice %arg10[%rem3A_211, %dma_wait3A_351] : memref<3x512xi32, #tpu.memory_space<vmem>> -> memref<1x128xi32, #tpu.memory_space<vmem>>
        %dma_wait3A_353 = tpu.memref_squeeze %dma_wait3A_352 : memref<1x128xi32, #tpu.memory_space<vmem>> -> memref<128xi32, #tpu.memory_space<vmem>>
        %dma_wait3A_354 = arith.constant 0 : i32
        %dma_wait3A_355 = arith.constant 0 : i32
        %dma_wait3A_356 = tpu.memref_slice %arg12[%dma_wait3A_354, %dma_wait3A_355] : memref<2800x64xf32, #tpu.memory_space<vmem_shared>> -> memref<2800x64xf32, #tpu.memory_space<vmem_shared>>
        %dma_wait3A_357 = tpu.memref_slice %arg14[%rem3A_211] : memref<3x!tpu.dma_semaphore, #tpu.memory_space<semaphore_mem>> -> memref<1x!tpu.dma_semaphore, #tpu.memory_space<semaphore_mem>>
        %dma_wait3A_358 = tpu.memref_squeeze %dma_wait3A_357 : memref<1x!tpu.dma_semaphore, #tpu.memory_space<semaphore_mem>> -> memref<!tpu.dma_semaphore, #tpu.memory_space<semaphore_mem>>
        tpu.wait_indirect_dma semaphore(%dma_wait3A_358 : memref<!tpu.dma_semaphore, #tpu.memory_space<semaphore_mem>>) src(%dma_wait3A_356 : memref<2800x64xf32, #tpu.memory_space<vmem_shared>>) dst(%dma_wait3A_350 : memref<128x64xf32, #tpu.memory_space<vmem>>)
        %sub3A_359 = arith.constant 1 : i32
        %sub3A_360 = arith.subi %add3A_199, %sub3A_359 : i32
        %mul3A_361 = arith.constant 512 : i32
        %mul3A_362 = arith.muli %sub3A_360, %mul3A_361 : i32
        %add3A_363 = arith.addi %mul3A_22, %mul3A_362 : i32
        %dma_start3A_364 = arith.constant 0 : i32
        %dma_start3A_365 = arith.constant 0 : i32
        %dma_start3A_366 = tpu.memref_slice %arg11[%rem3A_211, %dma_start3A_364, %dma_start3A_365] : memref<3x512x64xf32, #tpu.memory_space<vmem>> -> memref<1x512x64xf32, #tpu.memory_space<vmem>>
        %dma_start3A_367 = tpu.memref_squeeze %dma_start3A_366 : memref<1x512x64xf32, #tpu.memory_space<vmem>> -> memref<512x64xf32, #tpu.memory_space<vmem>>
        %dma_start3A_368 = arith.constant 0 : i32
        %dma_start3A_369 = tpu.memref_slice %arg6[%add3A_363, %dma_start3A_368] : memref<500000x64xf32, #tpu.memory_space<hbm>> -> memref<512x64xf32, #tpu.memory_space<hbm>>
        %dma_start3A_370 = tpu.memref_slice %arg15[%rem3A_211] : memref<3x!tpu.dma_semaphore, #tpu.memory_space<semaphore_mem>> -> memref<1x!tpu.dma_semaphore, #tpu.memory_space<semaphore_mem>>
        %dma_start3A_371 = tpu.memref_squeeze %dma_start3A_370 : memref<1x!tpu.dma_semaphore, #tpu.memory_space<semaphore_mem>> -> memref<!tpu.dma_semaphore, #tpu.memory_space<semaphore_mem>>
        %dma_start3A_372 = arith.constant 0 : i32
        %dma_start3A_373 = tpu.memref_slice %arg6[%add3A_363, %dma_start3A_372] : memref<500000x64xf32, #tpu.memory_space<hbm>> -> memref<512x64xf32, #tpu.memory_space<hbm>>
        %dma_start3A_374 = arith.constant 0 : i32
        %dma_start3A_375 = arith.constant 0 : i32
        %dma_start3A_376 = tpu.memref_slice %arg11[%rem3A_211, %dma_start3A_374, %dma_start3A_375] : memref<3x512x64xf32, #tpu.memory_space<vmem>> -> memref<1x512x64xf32, #tpu.memory_space<vmem>>
        %dma_start3A_377 = tpu.memref_squeeze %dma_start3A_376 : memref<1x512x64xf32, #tpu.memory_space<vmem>> -> memref<512x64xf32, #tpu.memory_space<vmem>>
        tpu.enqueue_dma source(%dma_start3A_377 : memref<512x64xf32, #tpu.memory_space<vmem>>) target(%dma_start3A_373 : memref<512x64xf32, #tpu.memory_space<hbm>>) target_semaphore(%dma_start3A_371 : memref<!tpu.dma_semaphore, #tpu.memory_space<semaphore_mem>>)
      } else {
      }
    }
    %scan3A_63 = arith.constant 31 : i32
    %dma_wait3A = arith.constant 0 : i32
    %dma_wait3A_64 = arith.constant 0 : i32
    %dma_wait3A_65 = arith.constant 0 : i32
    %dma_wait3A_66 = arith.constant 0 : i32
    %dma_wait3A_67 = arith.constant 0 : i32
    %dma_wait3A_68 = tpu.memref_slice %arg11[%dma_wait3A_64, %dma_wait3A_66, %dma_wait3A_67] : memref<3x512x64xf32, #tpu.memory_space<vmem>> -> memref<1x128x64xf32, #tpu.memory_space<vmem>>
    %dma_wait3A_69 = tpu.memref_squeeze %dma_wait3A_68 : memref<1x128x64xf32, #tpu.memory_space<vmem>> -> memref<128x64xf32, #tpu.memory_space<vmem>>
    %dma_wait3A_70 = arith.constant 0 : i32
    %dma_wait3A_71 = tpu.memref_slice %arg10[%dma_wait3A, %dma_wait3A_70] : memref<3x512xi32, #tpu.memory_space<vmem>> -> memref<1x128xi32, #tpu.memory_space<vmem>>
    %dma_wait3A_72 = tpu.memref_squeeze %dma_wait3A_71 : memref<1x128xi32, #tpu.memory_space<vmem>> -> memref<128xi32, #tpu.memory_space<vmem>>
    %dma_wait3A_73 = arith.constant 0 : i32
    %dma_wait3A_74 = arith.constant 0 : i32
    %dma_wait3A_75 = tpu.memref_slice %arg12[%dma_wait3A_73, %dma_wait3A_74] : memref<2800x64xf32, #tpu.memory_space<vmem_shared>> -> memref<2800x64xf32, #tpu.memory_space<vmem_shared>>
    %dma_wait3A_76 = tpu.memref_slice %arg14[%dma_wait3A_65] : memref<3x!tpu.dma_semaphore, #tpu.memory_space<semaphore_mem>> -> memref<1x!tpu.dma_semaphore, #tpu.memory_space<semaphore_mem>>
    %dma_wait3A_77 = tpu.memref_squeeze %dma_wait3A_76 : memref<1x!tpu.dma_semaphore, #tpu.memory_space<semaphore_mem>> -> memref<!tpu.dma_semaphore, #tpu.memory_space<semaphore_mem>>
    tpu.wait_indirect_dma semaphore(%dma_wait3A_77 : memref<!tpu.dma_semaphore, #tpu.memory_space<semaphore_mem>>) src(%dma_wait3A_75 : memref<2800x64xf32, #tpu.memory_space<vmem_shared>>) dst(%dma_wait3A_69 : memref<128x64xf32, #tpu.memory_space<vmem>>)
    %dma_wait3A_78 = arith.constant 0 : i32
    %dma_wait3A_79 = arith.constant 0 : i32
    %dma_wait3A_80 = arith.constant 0 : i32
    %dma_wait3A_81 = arith.constant 128 : i32
    %dma_wait3A_82 = arith.constant 0 : i32
    %dma_wait3A_83 = tpu.memref_slice %arg11[%dma_wait3A_79, %dma_wait3A_81, %dma_wait3A_82] : memref<3x512x64xf32, #tpu.memory_space<vmem>> -> memref<1x128x64xf32, #tpu.memory_space<vmem>>
    %dma_wait3A_84 = tpu.memref_squeeze %dma_wait3A_83 : memref<1x128x64xf32, #tpu.memory_space<vmem>> -> memref<128x64xf32, #tpu.memory_space<vmem>>
    %dma_wait3A_85 = arith.constant 128 : i32
    %dma_wait3A_86 = tpu.memref_slice %arg10[%dma_wait3A_78, %dma_wait3A_85] : memref<3x512xi32, #tpu.memory_space<vmem>> -> memref<1x128xi32, #tpu.memory_space<vmem>>
    %dma_wait3A_87 = tpu.memref_squeeze %dma_wait3A_86 : memref<1x128xi32, #tpu.memory_space<vmem>> -> memref<128xi32, #tpu.memory_space<vmem>>
    %dma_wait3A_88 = arith.constant 0 : i32
    %dma_wait3A_89 = arith.constant 0 : i32
    %dma_wait3A_90 = tpu.memref_slice %arg12[%dma_wait3A_88, %dma_wait3A_89] : memref<2800x64xf32, #tpu.memory_space<vmem_shared>> -> memref<2800x64xf32, #tpu.memory_space<vmem_shared>>
    %dma_wait3A_91 = tpu.memref_slice %arg14[%dma_wait3A_80] : memref<3x!tpu.dma_semaphore, #tpu.memory_space<semaphore_mem>> -> memref<1x!tpu.dma_semaphore, #tpu.memory_space<semaphore_mem>>
    %dma_wait3A_92 = tpu.memref_squeeze %dma_wait3A_91 : memref<1x!tpu.dma_semaphore, #tpu.memory_space<semaphore_mem>> -> memref<!tpu.dma_semaphore, #tpu.memory_space<semaphore_mem>>
    tpu.wait_indirect_dma semaphore(%dma_wait3A_92 : memref<!tpu.dma_semaphore, #tpu.memory_space<semaphore_mem>>) src(%dma_wait3A_90 : memref<2800x64xf32, #tpu.memory_space<vmem_shared>>) dst(%dma_wait3A_84 : memref<128x64xf32, #tpu.memory_space<vmem>>)
    %dma_wait3A_93 = arith.constant 0 : i32
    %dma_wait3A_94 = arith.constant 0 : i32
    %dma_wait3A_95 = arith.constant 0 : i32
    %dma_wait3A_96 = arith.constant 256 : i32
    %dma_wait3A_97 = arith.constant 0 : i32
    %dma_wait3A_98 = tpu.memref_slice %arg11[%dma_wait3A_94, %dma_wait3A_96, %dma_wait3A_97] : memref<3x512x64xf32, #tpu.memory_space<vmem>> -> memref<1x128x64xf32, #tpu.memory_space<vmem>>
    %dma_wait3A_99 = tpu.memref_squeeze %dma_wait3A_98 : memref<1x128x64xf32, #tpu.memory_space<vmem>> -> memref<128x64xf32, #tpu.memory_space<vmem>>
    %dma_wait3A_100 = arith.constant 256 : i32
    %dma_wait3A_101 = tpu.memref_slice %arg10[%dma_wait3A_93, %dma_wait3A_100] : memref<3x512xi32, #tpu.memory_space<vmem>> -> memref<1x128xi32, #tpu.memory_space<vmem>>
    %dma_wait3A_102 = tpu.memref_squeeze %dma_wait3A_101 : memref<1x128xi32, #tpu.memory_space<vmem>> -> memref<128xi32, #tpu.memory_space<vmem>>
    %dma_wait3A_103 = arith.constant 0 : i32
    %dma_wait3A_104 = arith.constant 0 : i32
    %dma_wait3A_105 = tpu.memref_slice %arg12[%dma_wait3A_103, %dma_wait3A_104] : memref<2800x64xf32, #tpu.memory_space<vmem_shared>> -> memref<2800x64xf32, #tpu.memory_space<vmem_shared>>
    %dma_wait3A_106 = tpu.memref_slice %arg14[%dma_wait3A_95] : memref<3x!tpu.dma_semaphore, #tpu.memory_space<semaphore_mem>> -> memref<1x!tpu.dma_semaphore, #tpu.memory_space<semaphore_mem>>
    %dma_wait3A_107 = tpu.memref_squeeze %dma_wait3A_106 : memref<1x!tpu.dma_semaphore, #tpu.memory_space<semaphore_mem>> -> memref<!tpu.dma_semaphore, #tpu.memory_space<semaphore_mem>>
    tpu.wait_indirect_dma semaphore(%dma_wait3A_107 : memref<!tpu.dma_semaphore, #tpu.memory_space<semaphore_mem>>) src(%dma_wait3A_105 : memref<2800x64xf32, #tpu.memory_space<vmem_shared>>) dst(%dma_wait3A_99 : memref<128x64xf32, #tpu.memory_space<vmem>>)
    %dma_wait3A_108 = arith.constant 0 : i32
    %dma_wait3A_109 = arith.constant 0 : i32
    %dma_wait3A_110 = arith.constant 0 : i32
    %dma_wait3A_111 = arith.constant 384 : i32
    %dma_wait3A_112 = arith.constant 0 : i32
    %dma_wait3A_113 = tpu.memref_slice %arg11[%dma_wait3A_109, %dma_wait3A_111, %dma_wait3A_112] : memref<3x512x64xf32, #tpu.memory_space<vmem>> -> memref<1x128x64xf32, #tpu.memory_space<vmem>>
    %dma_wait3A_114 = tpu.memref_squeeze %dma_wait3A_113 : memref<1x128x64xf32, #tpu.memory_space<vmem>> -> memref<128x64xf32, #tpu.memory_space<vmem>>
    %dma_wait3A_115 = arith.constant 384 : i32
    %dma_wait3A_116 = tpu.memref_slice %arg10[%dma_wait3A_108, %dma_wait3A_115] : memref<3x512xi32, #tpu.memory_space<vmem>> -> memref<1x128xi32, #tpu.memory_space<vmem>>
    %dma_wait3A_117 = tpu.memref_squeeze %dma_wait3A_116 : memref<1x128xi32, #tpu.memory_space<vmem>> -> memref<128xi32, #tpu.memory_space<vmem>>
    %dma_wait3A_118 = arith.constant 0 : i32
    %dma_wait3A_119 = arith.constant 0 : i32
    %dma_wait3A_120 = tpu.memref_slice %arg12[%dma_wait3A_118, %dma_wait3A_119] : memref<2800x64xf32, #tpu.memory_space<vmem_shared>> -> memref<2800x64xf32, #tpu.memory_space<vmem_shared>>
    %dma_wait3A_121 = tpu.memref_slice %arg14[%dma_wait3A_110] : memref<3x!tpu.dma_semaphore, #tpu.memory_space<semaphore_mem>> -> memref<1x!tpu.dma_semaphore, #tpu.memory_space<semaphore_mem>>
    %dma_wait3A_122 = tpu.memref_squeeze %dma_wait3A_121 : memref<1x!tpu.dma_semaphore, #tpu.memory_space<semaphore_mem>> -> memref<!tpu.dma_semaphore, #tpu.memory_space<semaphore_mem>>
    tpu.wait_indirect_dma semaphore(%dma_wait3A_122 : memref<!tpu.dma_semaphore, #tpu.memory_space<semaphore_mem>>) src(%dma_wait3A_120 : memref<2800x64xf32, #tpu.memory_space<vmem_shared>>) dst(%dma_wait3A_114 : memref<128x64xf32, #tpu.memory_space<vmem>>)
    %add3A_123 = arith.constant 15360 : i32
    %add3A_124 = arith.addi %mul3A_22, %add3A_123 : i32
    %dma_start3A_125 = arith.constant 0 : i32
    %dma_start3A_126 = arith.constant 0 : i32
    %dma_start3A_127 = arith.constant 0 : i32
    %dma_start3A_128 = arith.constant 0 : i32
    %dma_start3A_129 = tpu.memref_slice %arg11[%dma_start3A_125, %dma_start3A_127, %dma_start3A_128] : memref<3x512x64xf32, #tpu.memory_space<vmem>> -> memref<1x512x64xf32, #tpu.memory_space<vmem>>
    %dma_start3A_130 = tpu.memref_squeeze %dma_start3A_129 : memref<1x512x64xf32, #tpu.memory_space<vmem>> -> memref<512x64xf32, #tpu.memory_space<vmem>>
    %dma_start3A_131 = arith.constant 0 : i32
    %dma_start3A_132 = tpu.memref_slice %arg6[%add3A_124, %dma_start3A_131] : memref<500000x64xf32, #tpu.memory_space<hbm>> -> memref<512x64xf32, #tpu.memory_space<hbm>>
    %dma_start3A_133 = tpu.memref_slice %arg15[%dma_start3A_126] : memref<3x!tpu.dma_semaphore, #tpu.memory_space<semaphore_mem>> -> memref<1x!tpu.dma_semaphore, #tpu.memory_space<semaphore_mem>>
    %dma_start3A_134 = tpu.memref_squeeze %dma_start3A_133 : memref<1x!tpu.dma_semaphore, #tpu.memory_space<semaphore_mem>> -> memref<!tpu.dma_semaphore, #tpu.memory_space<semaphore_mem>>
    %dma_start3A_135 = arith.constant 0 : i32
    %dma_start3A_136 = tpu.memref_slice %arg6[%add3A_124, %dma_start3A_135] : memref<500000x64xf32, #tpu.memory_space<hbm>> -> memref<512x64xf32, #tpu.memory_space<hbm>>
    %dma_start3A_137 = arith.constant 0 : i32
    %dma_start3A_138 = arith.constant 0 : i32
    %dma_start3A_139 = tpu.memref_slice %arg11[%dma_start3A_125, %dma_start3A_137, %dma_start3A_138] : memref<3x512x64xf32, #tpu.memory_space<vmem>> -> memref<1x512x64xf32, #tpu.memory_space<vmem>>
    %dma_start3A_140 = tpu.memref_squeeze %dma_start3A_139 : memref<1x512x64xf32, #tpu.memory_space<vmem>> -> memref<512x64xf32, #tpu.memory_space<vmem>>
    tpu.enqueue_dma source(%dma_start3A_140 : memref<512x64xf32, #tpu.memory_space<vmem>>) target(%dma_start3A_136 : memref<512x64xf32, #tpu.memory_space<hbm>>) target_semaphore(%dma_start3A_134 : memref<!tpu.dma_semaphore, #tpu.memory_space<semaphore_mem>>)
    %add3A_141 = arith.constant 14336 : i32
    %add3A_142 = arith.addi %mul3A_22, %add3A_141 : i32
    %dma_wait3A_143 = arith.constant 1 : i32
    %dma_wait3A_144 = arith.constant 1 : i32
    %dma_wait3A_145 = arith.constant 0 : i32
    %dma_wait3A_146 = arith.constant 0 : i32
    %dma_wait3A_147 = tpu.memref_slice %arg11[%dma_wait3A_143, %dma_wait3A_145, %dma_wait3A_146] : memref<3x512x64xf32, #tpu.memory_space<vmem>> -> memref<1x512x64xf32, #tpu.memory_space<vmem>>
    %dma_wait3A_148 = tpu.memref_squeeze %dma_wait3A_147 : memref<1x512x64xf32, #tpu.memory_space<vmem>> -> memref<512x64xf32, #tpu.memory_space<vmem>>
    %dma_wait3A_149 = arith.constant 0 : i32
    %dma_wait3A_150 = tpu.memref_slice %arg6[%add3A_142, %dma_wait3A_149] : memref<500000x64xf32, #tpu.memory_space<hbm>> -> memref<512x64xf32, #tpu.memory_space<hbm>>
    %dma_wait3A_151 = tpu.memref_slice %arg15[%dma_wait3A_144] : memref<3x!tpu.dma_semaphore, #tpu.memory_space<semaphore_mem>> -> memref<1x!tpu.dma_semaphore, #tpu.memory_space<semaphore_mem>>
    %dma_wait3A_152 = tpu.memref_squeeze %dma_wait3A_151 : memref<1x!tpu.dma_semaphore, #tpu.memory_space<semaphore_mem>> -> memref<!tpu.dma_semaphore, #tpu.memory_space<semaphore_mem>>
    %dma_wait3A_153 = arith.constant 0 : i32
    %dma_wait3A_154 = tpu.memref_slice %arg6[%add3A_142, %dma_wait3A_153] : memref<500000x64xf32, #tpu.memory_space<hbm>> -> memref<512x64xf32, #tpu.memory_space<hbm>>
    %dma_wait3A_155 = arith.constant 0 : i32
    %dma_wait3A_156 = arith.constant 0 : i32
    %dma_wait3A_157 = tpu.memref_slice %arg11[%dma_wait3A_143, %dma_wait3A_155, %dma_wait3A_156] : memref<3x512x64xf32, #tpu.memory_space<vmem>> -> memref<1x512x64xf32, #tpu.memory_space<vmem>>
    %dma_wait3A_158 = tpu.memref_squeeze %dma_wait3A_157 : memref<1x512x64xf32, #tpu.memory_space<vmem>> -> memref<512x64xf32, #tpu.memory_space<vmem>>
    tpu.wait_dma2 semaphore(%dma_wait3A_152 : memref<!tpu.dma_semaphore, #tpu.memory_space<semaphore_mem>>) src(%dma_wait3A_158 : memref<512x64xf32, #tpu.memory_space<vmem>>) dst(%dma_wait3A_154 : memref<512x64xf32, #tpu.memory_space<hbm>>)
    %add3A_159 = arith.constant 14848 : i32
    %add3A_160 = arith.addi %mul3A_22, %add3A_159 : i32
    %dma_wait3A_161 = arith.constant 2 : i32
    %dma_wait3A_162 = arith.constant 2 : i32
    %dma_wait3A_163 = arith.constant 0 : i32
    %dma_wait3A_164 = arith.constant 0 : i32
    %dma_wait3A_165 = tpu.memref_slice %arg11[%dma_wait3A_161, %dma_wait3A_163, %dma_wait3A_164] : memref<3x512x64xf32, #tpu.memory_space<vmem>> -> memref<1x512x64xf32, #tpu.memory_space<vmem>>
    %dma_wait3A_166 = tpu.memref_squeeze %dma_wait3A_165 : memref<1x512x64xf32, #tpu.memory_space<vmem>> -> memref<512x64xf32, #tpu.memory_space<vmem>>
    %dma_wait3A_167 = arith.constant 0 : i32
    %dma_wait3A_168 = tpu.memref_slice %arg6[%add3A_160, %dma_wait3A_167] : memref<500000x64xf32, #tpu.memory_space<hbm>> -> memref<512x64xf32, #tpu.memory_space<hbm>>
    %dma_wait3A_169 = tpu.memref_slice %arg15[%dma_wait3A_162] : memref<3x!tpu.dma_semaphore, #tpu.memory_space<semaphore_mem>> -> memref<1x!tpu.dma_semaphore, #tpu.memory_space<semaphore_mem>>
    %dma_wait3A_170 = tpu.memref_squeeze %dma_wait3A_169 : memref<1x!tpu.dma_semaphore, #tpu.memory_space<semaphore_mem>> -> memref<!tpu.dma_semaphore, #tpu.memory_space<semaphore_mem>>
    %dma_wait3A_171 = arith.constant 0 : i32
    %dma_wait3A_172 = tpu.memref_slice %arg6[%add3A_160, %dma_wait3A_171] : memref<500000x64xf32, #tpu.memory_space<hbm>> -> memref<512x64xf32, #tpu.memory_space<hbm>>
    %dma_wait3A_173 = arith.constant 0 : i32
    %dma_wait3A_174 = arith.constant 0 : i32
    %dma_wait3A_175 = tpu.memref_slice %arg11[%dma_wait3A_161, %dma_wait3A_173, %dma_wait3A_174] : memref<3x512x64xf32, #tpu.memory_space<vmem>> -> memref<1x512x64xf32, #tpu.memory_space<vmem>>
    %dma_wait3A_176 = tpu.memref_squeeze %dma_wait3A_175 : memref<1x512x64xf32, #tpu.memory_space<vmem>> -> memref<512x64xf32, #tpu.memory_space<vmem>>
    tpu.wait_dma2 semaphore(%dma_wait3A_170 : memref<!tpu.dma_semaphore, #tpu.memory_space<semaphore_mem>>) src(%dma_wait3A_176 : memref<512x64xf32, #tpu.memory_space<vmem>>) dst(%dma_wait3A_172 : memref<512x64xf32, #tpu.memory_space<hbm>>)
    %add3A_177 = arith.constant 15360 : i32
    %add3A_178 = arith.addi %mul3A_22, %add3A_177 : i32
    %dma_wait3A_179 = arith.constant 0 : i32
    %dma_wait3A_180 = arith.constant 0 : i32
    %dma_wait3A_181 = arith.constant 0 : i32
    %dma_wait3A_182 = arith.constant 0 : i32
    %dma_wait3A_183 = tpu.memref_slice %arg11[%dma_wait3A_179, %dma_wait3A_181, %dma_wait3A_182] : memref<3x512x64xf32, #tpu.memory_space<vmem>> -> memref<1x512x64xf32, #tpu.memory_space<vmem>>
    %dma_wait3A_184 = tpu.memref_squeeze %dma_wait3A_183 : memref<1x512x64xf32, #tpu.memory_space<vmem>> -> memref<512x64xf32, #tpu.memory_space<vmem>>
    %dma_wait3A_185 = arith.constant 0 : i32
    %dma_wait3A_186 = tpu.memref_slice %arg6[%add3A_178, %dma_wait3A_185] : memref<500000x64xf32, #tpu.memory_space<hbm>> -> memref<512x64xf32, #tpu.memory_space<hbm>>
    %dma_wait3A_187 = tpu.memref_slice %arg15[%dma_wait3A_180] : memref<3x!tpu.dma_semaphore, #tpu.memory_space<semaphore_mem>> -> memref<1x!tpu.dma_semaphore, #tpu.memory_space<semaphore_mem>>
    %dma_wait3A_188 = tpu.memref_squeeze %dma_wait3A_187 : memref<1x!tpu.dma_semaphore, #tpu.memory_space<semaphore_mem>> -> memref<!tpu.dma_semaphore, #tpu.memory_space<semaphore_mem>>
    %dma_wait3A_189 = arith.constant 0 : i32
    %dma_wait3A_190 = tpu.memref_slice %arg6[%add3A_178, %dma_wait3A_189] : memref<500000x64xf32, #tpu.memory_space<hbm>> -> memref<512x64xf32, #tpu.memory_space<hbm>>
    %dma_wait3A_191 = arith.constant 0 : i32
    %dma_wait3A_192 = arith.constant 0 : i32
    %dma_wait3A_193 = tpu.memref_slice %arg11[%dma_wait3A_179, %dma_wait3A_191, %dma_wait3A_192] : memref<3x512x64xf32, #tpu.memory_space<vmem>> -> memref<1x512x64xf32, #tpu.memory_space<vmem>>
    %dma_wait3A_194 = tpu.memref_squeeze %dma_wait3A_193 : memref<1x512x64xf32, #tpu.memory_space<vmem>> -> memref<512x64xf32, #tpu.memory_space<vmem>>
    tpu.wait_dma2 semaphore(%dma_wait3A_188 : memref<!tpu.dma_semaphore, #tpu.memory_space<semaphore_mem>>) src(%dma_wait3A_194 : memref<512x64xf32, #tpu.memory_space<vmem>>) dst(%dma_wait3A_190 : memref<512x64xf32, #tpu.memory_space<hbm>>)
    return
  }
}

module attributes {stable_mosaic.version = 14 : i64} {
  func.func @_table_body(%arg0: memref<100x32xf32, #tpu.memory_space<vmem>>, %arg1: memref<4x16xf32, #tpu.memory_space<vmem>>, %arg2: memref<7x16xf32, #tpu.memory_space<vmem>>, %arg3: memref<64x64xf32, #tpu.memory_space<vmem>>, %arg4: memref<1x64xf32, #tpu.memory_space<vmem>>, %arg5: memref<64x64xf32, #tpu.memory_space<vmem>>, %arg6: memref<1x64xf32, #tpu.memory_space<vmem>>, %arg7: memref<2800x64xf32, #tpu.memory_space<vmem>>) attributes {dimension_semantics = [], scalar_prefetch = 0 : i64, scratch_operands = 0 : i64, tpu.core_type = #tpu.core_type<tc>} {
    %get3A = arith.constant 0 : index
    %get3A_0 = arith.constant 0 : index
    %get3A_1 = vector.load %arg3[%get3A, %get3A_0] : memref<64x64xf32, #tpu.memory_space<vmem>>, vector<64x64xf32>
    %get3A_2 = arith.constant 0 : index
    %get3A_3 = arith.constant 0 : index
    %get3A_4 = vector.load %arg0[%get3A_2, %get3A_3] : memref<100x32xf32, #tpu.memory_space<vmem>>, vector<100x32xf32>
    %slice3A = vector.extract_strided_slice %get3A_1 {offsets = [0, 0], sizes = [32, 64], strides = [1, 1]} : vector<64x64xf32> to vector<32x64xf32>
    %dot_general3A = arith.constant dense<0.000000e+00> : vector<100x64xf32>
    %dot_general3A_5 = tpu.matmul %get3A_4, %slice3A, %dot_general3A {dimension_numbers = #tpu.dot_dimension_numbers<[1], [0], [0], [1], [0, 0, 1, 1], [], []>, precision = #tpu.contract_precision<fp32>, transpose_lhs_hint = false} : vector<100x32xf32>, vector<32x64xf32>, vector<100x64xf32> -> vector<100x64xf32>
    %get3A_6 = arith.constant 0 : index
    %get3A_7 = arith.constant 0 : index
    %get3A_8 = vector.load %arg1[%get3A_6, %get3A_7] : memref<4x16xf32, #tpu.memory_space<vmem>>, vector<4x16xf32>
    %slice3A_9 = vector.extract_strided_slice %get3A_1 {offsets = [32, 0], sizes = [16, 64], strides = [1, 1]} : vector<64x64xf32> to vector<16x64xf32>
    %dot_general3A_10 = arith.constant dense<0.000000e+00> : vector<4x64xf32>
    %dot_general3A_11 = tpu.matmul %get3A_8, %slice3A_9, %dot_general3A_10 {dimension_numbers = #tpu.dot_dimension_numbers<[1], [0], [0], [1], [0, 0, 1, 1], [], []>, precision = #tpu.contract_precision<fp32>, transpose_lhs_hint = false} : vector<4x16xf32>, vector<16x64xf32>, vector<4x64xf32> -> vector<4x64xf32>
    %get3A_12 = arith.constant 0 : index
    %get3A_13 = arith.constant 0 : index
    %get3A_14 = vector.load %arg2[%get3A_12, %get3A_13] : memref<7x16xf32, #tpu.memory_space<vmem>>, vector<7x16xf32>
    %slice3A_15 = vector.extract_strided_slice %get3A_1 {offsets = [48, 0], sizes = [16, 64], strides = [1, 1]} : vector<64x64xf32> to vector<16x64xf32>
    %dot_general3A_16 = arith.constant dense<0.000000e+00> : vector<7x64xf32>
    %dot_general3A_17 = tpu.matmul %get3A_14, %slice3A_15, %dot_general3A_16 {dimension_numbers = #tpu.dot_dimension_numbers<[1], [0], [0], [1], [0, 0, 1, 1], [], []>, precision = #tpu.contract_precision<fp32>, transpose_lhs_hint = false} : vector<7x16xf32>, vector<16x64xf32>, vector<7x64xf32> -> vector<7x64xf32>
    %iota3A = tpu.iota {dimensions = array<i32: 0>} : vector<2800x1xi32>
    %jit3A = arith.constant 28 : i32
    %div3A = vector.broadcast %jit3A : i32 to vector<2800x1xi32>
    %div3A_18 = arith.divsi %iota3A, %div3A : vector<2800x1xi32>
    %sign3A = arith.constant 0 : i32
    %sign3A_19 = vector.broadcast %sign3A : i32 to vector<2800x1xi32>
    %sign3A_20 = arith.cmpi sgt, %iota3A, %sign3A_19 : vector<2800x1xi32>
    %sign3A_21 = arith.extui %sign3A_20 : vector<2800x1xi1> to vector<2800x1xi32>
    %sign3A_22 = arith.constant 0 : i32
    %sign3A_23 = vector.broadcast %sign3A_22 : i32 to vector<2800x1xi32>
    %sign3A_24 = arith.cmpi slt, %iota3A, %sign3A_23 : vector<2800x1xi32>
    %sign3A_25 = arith.extui %sign3A_24 : vector<2800x1xi1> to vector<2800x1xi32>
    %sign3A_26 = arith.subi %sign3A_21, %sign3A_25 : vector<2800x1xi32>
    %sign3A_27 = arith.constant 0 : i32
    %sign3A_28 = arith.cmpi sgt, %jit3A, %sign3A_27 : i32
    %sign3A_29 = arith.extui %sign3A_28 : i1 to i32
    %sign3A_30 = arith.constant 0 : i32
    %sign3A_31 = arith.cmpi slt, %jit3A, %sign3A_30 : i32
    %sign3A_32 = arith.extui %sign3A_31 : i1 to i32
    %sign3A_33 = arith.subi %sign3A_29, %sign3A_32 : i32
    %ne3A = vector.broadcast %sign3A_33 : i32 to vector<2800x1xi32>
    %ne3A_34 = arith.cmpi ne, %sign3A_26, %ne3A : vector<2800x1xi32>
    %rem3A = vector.broadcast %jit3A : i32 to vector<2800x1xi32>
    %rem3A_35 = arith.remsi %iota3A, %rem3A : vector<2800x1xi32>
    %ne3A_36 = arith.constant 0 : i32
    %ne3A_37 = vector.broadcast %ne3A_36 : i32 to vector<2800x1xi32>
    %ne3A_38 = arith.cmpi ne, %rem3A_35, %ne3A_37 : vector<2800x1xi32>
    %and3A = arith.andi %ne3A_34, %ne3A_38 : vector<2800x1xi1>
    %sub3A = arith.constant 1 : i32
    %sub3A_39 = vector.broadcast %sub3A : i32 to vector<2800x1xi32>
    %sub3A_40 = arith.subi %div3A_18, %sub3A_39 : vector<2800x1xi32>
    %select_n3A = arith.select %and3A, %sub3A_40, %div3A_18 : vector<2800x1xi1>, vector<2800x1xi32>
    %jit3A_41 = arith.constant 7 : i32
    %div3A_42 = vector.broadcast %jit3A_41 : i32 to vector<2800x1xi32>
    %div3A_43 = arith.divsi %iota3A, %div3A_42 : vector<2800x1xi32>
    %sign3A_44 = arith.constant 0 : i32
    %sign3A_45 = vector.broadcast %sign3A_44 : i32 to vector<2800x1xi32>
    %sign3A_46 = arith.cmpi sgt, %iota3A, %sign3A_45 : vector<2800x1xi32>
    %sign3A_47 = arith.extui %sign3A_46 : vector<2800x1xi1> to vector<2800x1xi32>
    %sign3A_48 = arith.constant 0 : i32
    %sign3A_49 = vector.broadcast %sign3A_48 : i32 to vector<2800x1xi32>
    %sign3A_50 = arith.cmpi slt, %iota3A, %sign3A_49 : vector<2800x1xi32>
    %sign3A_51 = arith.extui %sign3A_50 : vector<2800x1xi1> to vector<2800x1xi32>
    %sign3A_52 = arith.subi %sign3A_47, %sign3A_51 : vector<2800x1xi32>
    %sign3A_53 = arith.constant 0 : i32
    %sign3A_54 = arith.cmpi sgt, %jit3A_41, %sign3A_53 : i32
    %sign3A_55 = arith.extui %sign3A_54 : i1 to i32
    %sign3A_56 = arith.constant 0 : i32
    %sign3A_57 = arith.cmpi slt, %jit3A_41, %sign3A_56 : i32
    %sign3A_58 = arith.extui %sign3A_57 : i1 to i32
    %sign3A_59 = arith.subi %sign3A_55, %sign3A_58 : i32
    %ne3A_60 = vector.broadcast %sign3A_59 : i32 to vector<2800x1xi32>
    %ne3A_61 = arith.cmpi ne, %sign3A_52, %ne3A_60 : vector<2800x1xi32>
    %rem3A_62 = vector.broadcast %jit3A_41 : i32 to vector<2800x1xi32>
    %rem3A_63 = arith.remsi %iota3A, %rem3A_62 : vector<2800x1xi32>
    %ne3A_64 = arith.constant 0 : i32
    %ne3A_65 = vector.broadcast %ne3A_64 : i32 to vector<2800x1xi32>
    %ne3A_66 = arith.cmpi ne, %rem3A_63, %ne3A_65 : vector<2800x1xi32>
    %and3A_67 = arith.andi %ne3A_61, %ne3A_66 : vector<2800x1xi1>
    %sub3A_68 = arith.constant 1 : i32
    %sub3A_69 = vector.broadcast %sub3A_68 : i32 to vector<2800x1xi32>
    %sub3A_70 = arith.subi %div3A_43, %sub3A_69 : vector<2800x1xi32>
    %select_n3A_71 = arith.select %and3A_67, %sub3A_70, %div3A_43 : vector<2800x1xi1>, vector<2800x1xi32>
    %jit3A_72 = arith.constant 4 : i32
    %eq3A = arith.constant 0 : i32
    %eq3A_73 = arith.cmpi eq, %jit3A_72, %eq3A : i32
    %jit3A_74 = arith.constant 1 : i32
    %select_n3A_75 = arith.select %eq3A_73, %jit3A_74, %jit3A_72 : i32
    %rem3A_76 = vector.broadcast %select_n3A_75 : i32 to vector<2800x1xi32>
    %rem3A_77 = arith.remsi %select_n3A_71, %rem3A_76 : vector<2800x1xi32>
    %ne3A_78 = arith.constant 0 : i32
    %ne3A_79 = vector.broadcast %ne3A_78 : i32 to vector<2800x1xi32>
    %ne3A_80 = arith.cmpi ne, %rem3A_77, %ne3A_79 : vector<2800x1xi32>
    %lt3A = arith.constant 0 : i32
    %lt3A_81 = vector.broadcast %lt3A : i32 to vector<2800x1xi32>
    %lt3A_82 = arith.cmpi slt, %rem3A_77, %lt3A_81 : vector<2800x1xi32>
    %lt3A_83 = arith.constant 0 : i32
    %lt3A_84 = arith.cmpi slt, %select_n3A_75, %lt3A_83 : i32
    %ne3A_85 = vector.broadcast %lt3A_84 : i1 to vector<2800x1xi1>
    %ne3A_86 = vector.broadcast %ne3A_85 : vector<2800x1xi1> to vector<2800x1xi1>
    %ne3A_87 = arith.xori %lt3A_82, %ne3A_86 : vector<2800x1xi1>
    %and3A_88 = arith.andi %ne3A_87, %ne3A_80 : vector<2800x1xi1>
    %add3A = vector.broadcast %select_n3A_75 : i32 to vector<2800x1xi32>
    %add3A_89 = arith.addi %rem3A_77, %add3A : vector<2800x1xi32>
    %select_n3A_90 = arith.select %and3A_88, %add3A_89, %rem3A_77 : vector<2800x1xi1>, vector<2800x1xi32>
    %jit3A_91 = arith.constant 7 : i32
    %eq3A_92 = arith.constant 0 : i32
    %eq3A_93 = arith.cmpi eq, %jit3A_91, %eq3A_92 : i32
    %jit3A_94 = arith.constant 1 : i32
    %select_n3A_95 = arith.select %eq3A_93, %jit3A_94, %jit3A_91 : i32
    %rem3A_96 = vector.broadcast %select_n3A_95 : i32 to vector<2800x1xi32>
    %rem3A_97 = arith.remsi %iota3A, %rem3A_96 : vector<2800x1xi32>
    %ne3A_98 = arith.constant 0 : i32
    %ne3A_99 = vector.broadcast %ne3A_98 : i32 to vector<2800x1xi32>
    %ne3A_100 = arith.cmpi ne, %rem3A_97, %ne3A_99 : vector<2800x1xi32>
    %lt3A_101 = arith.constant 0 : i32
    %lt3A_102 = vector.broadcast %lt3A_101 : i32 to vector<2800x1xi32>
    %lt3A_103 = arith.cmpi slt, %rem3A_97, %lt3A_102 : vector<2800x1xi32>
    %lt3A_104 = arith.constant 0 : i32
    %lt3A_105 = arith.cmpi slt, %select_n3A_95, %lt3A_104 : i32
    %ne3A_106 = vector.broadcast %lt3A_105 : i1 to vector<2800x1xi1>
    %ne3A_107 = vector.broadcast %ne3A_106 : vector<2800x1xi1> to vector<2800x1xi1>
    %ne3A_108 = arith.xori %lt3A_103, %ne3A_107 : vector<2800x1xi1>
    %and3A_109 = arith.andi %ne3A_108, %ne3A_100 : vector<2800x1xi1>
    %add3A_110 = vector.broadcast %select_n3A_95 : i32 to vector<2800x1xi32>
    %add3A_111 = arith.addi %rem3A_97, %add3A_110 : vector<2800x1xi32>
    %select_n3A_112 = arith.select %and3A_109, %add3A_111, %rem3A_97 : vector<2800x1xi1>, vector<2800x1xi32>
    %iota3A_113 = tpu.iota {dimensions = array<i32: 1>} : vector<2800x100xi32>
    %eq3A_114 = vector.broadcast %select_n3A : vector<2800x1xi32> to vector<2800x100xi32>
    %eq3A_115 = arith.cmpi eq, %iota3A_113, %eq3A_114 : vector<2800x100xi32>
    %convert_element_type3A = arith.extui %eq3A_115 : vector<2800x100xi1> to vector<2800x100xi32>
    %convert_element_type3A_116 = arith.sitofp %convert_element_type3A : vector<2800x100xi32> to vector<2800x100xf32>
    %iota3A_117 = tpu.iota {dimensions = array<i32: 1>} : vector<2800x4xi32>
    %eq3A_118 = vector.broadcast %select_n3A_90 : vector<2800x1xi32> to vector<2800x4xi32>
    %eq3A_119 = arith.cmpi eq, %iota3A_117, %eq3A_118 : vector<2800x4xi32>
    %convert_element_type3A_120 = arith.extui %eq3A_119 : vector<2800x4xi1> to vector<2800x4xi32>
    %convert_element_type3A_121 = arith.sitofp %convert_element_type3A_120 : vector<2800x4xi32> to vector<2800x4xf32>
    %iota3A_122 = tpu.iota {dimensions = array<i32: 1>} : vector<2800x7xi32>
    %eq3A_123 = vector.broadcast %select_n3A_112 : vector<2800x1xi32> to vector<2800x7xi32>
    %eq3A_124 = arith.cmpi eq, %iota3A_122, %eq3A_123 : vector<2800x7xi32>
    %convert_element_type3A_125 = arith.extui %eq3A_124 : vector<2800x7xi1> to vector<2800x7xi32>
    %convert_element_type3A_126 = arith.sitofp %convert_element_type3A_125 : vector<2800x7xi32> to vector<2800x7xf32>
    %dot_general3A_127 = arith.constant dense<0.000000e+00> : vector<2800x64xf32>
    %dot_general3A_128 = tpu.matmul %convert_element_type3A_116, %dot_general3A_5, %dot_general3A_127 {dimension_numbers = #tpu.dot_dimension_numbers<[1], [0], [0], [1], [0, 0, 1, 1], [], []>, precision = #tpu.contract_precision<fp32>, transpose_lhs_hint = false} : vector<2800x100xf32>, vector<100x64xf32>, vector<2800x64xf32> -> vector<2800x64xf32>
    %dot_general3A_129 = arith.constant dense<0.000000e+00> : vector<2800x64xf32>
    %dot_general3A_130 = tpu.matmul %convert_element_type3A_121, %dot_general3A_11, %dot_general3A_129 {dimension_numbers = #tpu.dot_dimension_numbers<[1], [0], [0], [1], [0, 0, 1, 1], [], []>, precision = #tpu.contract_precision<fp32>, transpose_lhs_hint = false} : vector<2800x4xf32>, vector<4x64xf32>, vector<2800x64xf32> -> vector<2800x64xf32>
    %add3A_131 = arith.addf %dot_general3A_128, %dot_general3A_130 : vector<2800x64xf32>
    %dot_general3A_132 = arith.constant dense<0.000000e+00> : vector<2800x64xf32>
    %dot_general3A_133 = tpu.matmul %convert_element_type3A_126, %dot_general3A_17, %dot_general3A_132 {dimension_numbers = #tpu.dot_dimension_numbers<[1], [0], [0], [1], [0, 0, 1, 1], [], []>, precision = #tpu.contract_precision<fp32>, transpose_lhs_hint = false} : vector<2800x7xf32>, vector<7x64xf32>, vector<2800x64xf32> -> vector<2800x64xf32>
    %add3A_134 = arith.addf %add3A_131, %dot_general3A_133 : vector<2800x64xf32>
    %get3A_135 = arith.constant 0 : index
    %get3A_136 = arith.constant 0 : index
    %get3A_137 = vector.load %arg4[%get3A_135, %get3A_136] : memref<1x64xf32, #tpu.memory_space<vmem>>, vector<1x64xf32>
    %add3A_138 = vector.broadcast %get3A_137 : vector<1x64xf32> to vector<2800x64xf32>
    %add3A_139 = arith.addf %add3A_134, %add3A_138 : vector<2800x64xf32>
    %neg3A = arith.constant 0.000000e+00 : f32
    %neg3A_140 = vector.broadcast %neg3A : f32 to vector<2800x64xf32>
    %neg3A_141 = arith.subf %neg3A_140, %add3A_139 : vector<2800x64xf32>
    %exp3A = math.exp %neg3A_141 : vector<2800x64xf32>
    %add3A_142 = arith.constant 1.000000e+00 : f32
    %add3A_143 = vector.broadcast %add3A_142 : f32 to vector<2800x64xf32>
    %add3A_144 = arith.addf %add3A_143, %exp3A : vector<2800x64xf32>
    %div3A_145 = arith.constant 1.000000e+00 : f32
    %div3A_146 = vector.broadcast %div3A_145 : f32 to vector<2800x64xf32>
    %div3A_147 = arith.divf %div3A_146, %add3A_144 : vector<2800x64xf32>
    %mul3A = arith.mulf %add3A_139, %div3A_147 : vector<2800x64xf32>
    %get3A_148 = arith.constant 0 : index
    %get3A_149 = arith.constant 0 : index
    %get3A_150 = vector.load %arg5[%get3A_148, %get3A_149] : memref<64x64xf32, #tpu.memory_space<vmem>>, vector<64x64xf32>
    %dot_general3A_151 = arith.constant dense<0.000000e+00> : vector<2800x64xf32>
    %dot_general3A_152 = tpu.matmul %mul3A, %get3A_150, %dot_general3A_151 {dimension_numbers = #tpu.dot_dimension_numbers<[1], [0], [0], [1], [0, 0, 1, 1], [], []>, precision = #tpu.contract_precision<fp32>, transpose_lhs_hint = false} : vector<2800x64xf32>, vector<64x64xf32>, vector<2800x64xf32> -> vector<2800x64xf32>
    %get3A_153 = arith.constant 0 : index
    %get3A_154 = arith.constant 0 : index
    %get3A_155 = vector.load %arg6[%get3A_153, %get3A_154] : memref<1x64xf32, #tpu.memory_space<vmem>>, vector<1x64xf32>
    %add3A_156 = vector.broadcast %get3A_155 : vector<1x64xf32> to vector<2800x64xf32>
    %add3A_157 = arith.addf %dot_general3A_152, %add3A_156 : vector<2800x64xf32>
    %swap3A = arith.constant 0 : index
    %swap3A_158 = arith.constant 0 : index
    %swap3A_159 = vector.load %arg7[%swap3A, %swap3A_158] : memref<2800x64xf32, #tpu.memory_space<vmem>>, vector<2800x64xf32>
    tpu.vector_store %arg7[%swap3A, %swap3A_158], %add3A_157 {strides = array<i32>} : memref<2800x64xf32, #tpu.memory_space<vmem>>, vector<2800x64xf32>,
    return
  }
}

</mosaic_0001>

<sc_bundles>
// kernel: kernel.4.cloned.1.call-start
scs
__scs_entry_jumppad:
0x0: {  	(pc) =	sbr.rel $0x88, $3  }
0x1: {  	(tag) =	ssettag $0x0;
	lr =	simm.s32 $0x1  }
0x2: {  	[smem:$0x3F97] =	sst lr;
	_ =	strace $0xD0000000  }
0x3: {  	_ = 	snop  }
0x4: {  	_ = 	snop  }
0x5: {  	_ = 	snop  }
0x6: {  	_ = 	snop  }
0x7: {  	_ = 	snop  }
__scs_overlays_trampoline_lowered:
0x8: {  	[smem:$0x3FA6] =	sst s0  }
0x9: {  	[smem:$0x3FA7] =	sst s1  }
0xa: {  	[smem:$0x3FA8] =	sst s2  }
0xb: {  	[smem:$0x3FA9] =	sst s3  }
0xc: {  	[smem:$0x3FAA] =	sst s4  }
0xd: {  	[smem:$0x3FAB] =	sst s5  }
0xe: {  	[smem:$0x3FAC] =	sst s6  }
0xf: {  	[smem:$0x3FAD] =	sst s7  }
0x10: {  	[smem:$0x3FAE] =	sst s8  }
0x11: {  	[smem:$0x3FAF] =	sst s9;
	s0 =	simm.s32 @!p0 $0x0  }
0x12: {  	s1 =	sld [smem:$0x3F95];
	s0 =	simm.s32 @p0 $0x1  }
0x13: {  	[smem:$0x3FB0] =	sst s0;
	s0 =	simm.s32 @!p1 $0x0  }
0x14: {  	s2 =	sld [smem:$0x3F94];
	s0 =	simm.s32 @p1 $0x1  }
0x15: {  	[smem:$0x3FB1] =	sst s0;
	s0 =	simm.s32 @!p2 $0x0  }
0x16: {  	s3 =	sld [smem:$0x3FDB];
	s0 =	simm.s32 @p2 $0x1  }
0x17: {  	s4 =	simm.s32 $0x1BF5;
	[smem:$0x3FB3] =	sst s0  }
0x18: {  	s0 =	sld [smem:$0x3F96];
	_ =	swait.ge [sflag:s4], $0x0  }
0x19: {  	s7 =	sld [smem:$0x3F97]  }
0x1a: {  	s8 =	sadd.s32 $0xFFFFE003, lr  }
0x1b: {  	s9 =	sadd.s32 $0xFFFFFEF7, lr;
	s5 =	simm.s32 $0xFFFFFFFF;
	p2 =	slt.u32 s8, $0xFFFFF086  }
0x1c: {  	p1 =	slt.u32 s9, $0xF7A;
	s5 =	simm.s32 @!p2 $0x0  }
0x1d: {  	s5 =	simm.s32 @p1 $0x1;
	p0 =	seq.s32 s7, s2  }
0x1e: {  	s7 =	smul.u32 @!p0 $0xF7A, s2;
	p2 =	seq.s32 @!p0 s5, $0x0  }
0x1f: {  	s9 =	smul.u32 $0xF7A, s1;
	s8 =	simm.s32 @!p0 $0x1BF5;
	p2 =	por !p2, p0  }
0x20: {  	[sflag:s8] =	ssyncset.s32 @!p0 $0xFFFFF086;
	s6 =	sadd.s32 @!p0 s3, s7;
	s7 =	simm.s32 @!p0 $0x108  }
0x21: {  	s3 =	sadd.s32 s3, s9;
	s6 =	sadd.s32 @!p0 $0x88, s6;
	s7 =	simm.s32 @p2 $0x1082  }
0x22: {  	[simem:s7], [sflag:s8] =	dma.local @!p0 [hbm:s6], $0xF7A  }
0x23: {  	s9 =	sor.u32 $0xD0000000, s2;
	s6 =	simm.s32 $0x108;
	_ =	swait.ge @!p0 [sflag:s8], $0x0  }
0x24: {  	s3 =	sadd.s32 $0x88, s3;
	s6 =	simm.s32 @!p1 $0x1082;
	[sflag:s4] =	ssyncset.s32 $0xFFFFF086  }
0x25: {  	[simem:s6], [sflag:s4] =	dma.local [hbm:s3], $0xF7A  }
0x26: {  	[smem:$0x3F97] =	sst s1;
	(tag) =	ssettag s2;
	_ =	strace s9  }
0x27: {  	s1 =	sld [smem:$0x3FA7]  }
0x28: {  	s2 =	sld [smem:$0x3FA8]  }
0x29: {  	s4 =	sld [smem:$0x3FAA]  }
0x2a: {  	p0 =	seq.s32 s5, $0x0;
	s5 =	sld [smem:$0x3FAB]  }
0x2b: {  	s6 =	sld [smem:$0x3FAC]  }
0x2c: {  	s7 =	sld [smem:$0x3FAD]  }
0x2d: {  	s3 =	simm.s32 $0x108;
	s8 =	sld [smem:$0x3FAE]  }
0x2e: {  	s3 =	simm.s32 @!p0 $0x1082;
	s9 =	sld [smem:$0x3FAF]  }
0x2f: {  	lr =	sadd.s32 s0, s3;
	s0 =	sld [smem:$0x3FA6]  }
0x30: {  	s3 =	sld [smem:$0x3FA9]  }
0x31: {  	[smem:$0x3FB2] =	sst s10  }
0x32: {  	s10 =	sld [smem:$0x3FB0];
	_ =	sdelay $0x3  }
0x33: {  	p0 =	seq.s32 s10, $0x1;
	s10 =	sld [smem:$0x3FB2];
	_ =	sdelay $0x3  }
0x34: {  	[smem:$0x3FB2] =	sst s10  }
0x35: {  	s10 =	sld [smem:$0x3FB1];
	_ =	sdelay $0x3  }
0x36: {  	p1 =	seq.s32 s10, $0x1;
	s10 =	sld [smem:$0x3FB2];
	_ =	sdelay $0x3  }
0x37: {  	[smem:$0x3FB2] =	sst s10  }
0x38: {  	s10 =	sld [smem:$0x3FB3]  }
0x39: {  	_ = 	snop;
	(pc) =	sbr.ind lr, $3  }
0x3a: {  	_ = 	snop  }
0x3b: {  	_ = 	snop  }
0x3c: {  	p2 =	seq.s32 s10, $0x1;
	s10 =	sld [smem:$0x3FB2]  }
0x3d: {  	_ =	shalt  }
0x3e: {  	_ =	shalt  }
0x3f: {  	_ =	shalt  }
0x40: {  	_ =	shalt  }
0x41: {  	_ =	shalt  }
0x42: {  	_ =	shalt  }
0x43: {  	_ =	shalt  }
0x44: {  	_ =	shalt  }
0x45: {  	_ =	shalt  }
0x46: {  	_ =	shalt  }
0x47: {  	_ =	shalt  }
0x48: {  	_ =	shalt  }
0x49: {  	_ =	shalt  }
0x4a: {  	_ =	shalt  }
0x4b: {  	_ =	shalt  }
0x4c: {  	_ =	shalt  }
0x4d: {  	_ =	shalt  }
0x4e: {  	_ =	shalt  }
0x4f: {  	_ =	shalt  }
0x50: {  	_ =	shalt  }
0x51: {  	_ =	shalt  }
0x52: {  	_ =	shalt  }
0x53: {  	_ =	shalt  }
0x54: {  	_ =	shalt  }
0x55: {  	_ =	shalt  }
0x56: {  	_ =	shalt  }
0x57: {  	_ =	shalt  }
0x58: {  	_ =	shalt  }
0x59: {  	_ =	shalt  }
0x5a: {  	_ =	shalt  }
0x5b: {  	_ =	shalt  }
0x5c: {  	_ =	shalt  }
0x5d: {  	_ =	shalt  }
0x5e: {  	_ =	shalt  }
0x5f: {  	_ =	shalt  }
0x60: {  	_ =	shalt  }
0x61: {  	_ =	shalt  }
0x62: {  	_ =	shalt  }
0x63: {  	_ =	shalt  }
0x64: {  	_ =	shalt  }
0x65: {  	_ =	shalt  }
0x66: {  	_ =	shalt  }
0x67: {  	_ =	shalt  }
0x68: {  	_ =	shalt  }
0x69: {  	_ =	shalt  }
0x6a: {  	_ =	shalt  }
0x6b: {  	_ =	shalt  }
0x6c: {  	_ =	shalt  }
0x6d: {  	_ =	shalt  }
0x6e: {  	_ =	shalt  }
0x6f: {  	_ =	shalt  }
0x70: {  	_ =	shalt  }
0x71: {  	_ =	shalt  }
0x72: {  	_ =	shalt  }
0x73: {  	_ =	shalt  }
0x74: {  	_ =	shalt  }
0x75: {  	_ =	shalt  }
0x76: {  	_ =	shalt  }
0x77: {  	_ =	shalt  }
0x78: {  	_ =	shalt  }
0x79: {  	_ =	shalt  }
0x7a: {  	_ =	shalt  }
0x7b: {  	_ =	shalt  }
0x7c: {  	_ =	shalt  }
0x7d: {  	_ =	shalt  }
0x7e: {  	_ =	shalt  }
0x7f: {  	_ =	shalt  }
0x80: {  	_ =	shalt  }
0x81: {  	_ =	shalt  }
0x82: {  	_ =	shalt  }
0x83: {  	_ =	shalt  }
0x84: {  	_ =	shalt  }
0x85: {  	_ =	shalt  }
0x86: {  	_ =	shalt  }
0x87: {  	_ =	shalt  }
.Lfunc_end0:
.L_simem_size_0:
called_computation.1_lowered:
.L_overlay_start_0:
0x88: {  	s2 =	sld [smem:$0x3FD9]  }
0x89: {  	s3 =	sld [smem:$0x3FFE];
	_ =	sdelay $0x1  }
0x8a: {  	s1 =	srdreg.scid  }
0x8b: {  	s0 =	sand.u32 $0x1, s1  }
0x8c: {  	s17 =	sshll.u32 s0, $0xA;
	s2 =	sadd.s32 s3, s2  }
0x8d: {  	s2 =	sadd.s32 s2, s17  }
0x8e: {  	[smem:$0x3FBE] =	sst s2  }
0x8f: {  	_ = 	snop  }
0x90: {  	s2 =	sld [smem:$0x3FC9]  }
0x91: {  	s18 =	sld [smem:$0x3FC8]  }
0x92: {  	s4 =	sld [smem:$0x3FC7]  }
0x93: {  	s5 =	sld [smem:$0x3FD0];
	(tm) =	ssettm $0x1  }
0x94: {  	s6 =	sld [smem:$0x3FFB];
	_ =	sdelay $0x3  }
0x95: {  	_ =	strace s6  }
0x96: {  	s6 =	sld [smem:$0x3FFC];
	_ =	sdelay $0x3  }
0x97: {  	_ =	strace s6  }
0x98: {  	s6 =	sld [smem:$0x3FFD];
	_ =	sdelay $0x3  }
0x99: {  	_ =	strace s6  }
0x9a: {  	_ =	strace $0x8FFFFFFF  }
0x9b: {  	s19 =	sld [smem:$0x3FDB];
	_ =	sdelay $0x1  }
0x9c: {  	s7 =	simm.s32 $_scs_section_size  }
0x9d: {  	s8 =	simm.s32 $_size__tile_overlayer_lowered;
	s9 =	simm.s32 $_tile_overlayer_lowered  }
0x9e: {  	s22 =	simm.s32 $0x1BFF;
	s21 =	sshll.u32 s9, $0x1;
	s6 =	sadd.s32 s7, s19  }
0x9f: {  	s10 =	simm.s32 $0x0;
	s20 =	sshll.u32 s8, $0x1;
	s8 =	sadd.s32 s21, s6  }
0xa0: {  	[timem:s10], [sflag:s22] =	dma.local [hbm:s8], s20  }
0xa1: {  	_ =	swait.ge [sflag:s22], s20  }
0xa2: {  	s7 =	ssub.s32 $0x0, s20;
	[sflag:s22] =	ssyncset.done $0x0  }
0xa3: {  	[sflag:s22] =	ssyncadd.s32 s7;
	_ =	sdelay $0x1  }
0xa4: {  	s23 =	simm.s32 $0x1B8B  }
0xa5: {  	_ =	swait.ge [sflag:s23], $0x1  }
0xa6: {  	[sflag:s23] =	ssyncset.done $0x0  }
0xa7: {  	s25 =	simm.s32 $0x1B8E;
	s24 =	sld [smem:$0x3FFE];
	[sflag:s23] =	ssyncadd.s32 $0xFFFFFFFF  }
0xa8: {  	s26 =	simm.s32 $execute0_lowered;
	[smem:$0x3FD2] =	sst s25  }
0xa9: {  	s8 =	sshll.u32 s26, $0x1;
	_ =	strace $0x80000046;
	[dreg:$0x1] =	wrdreg $0xFFFFFFFF  }
0xaa: {  	s28 =	simm.s32 $_size_execute0_lowered;
	s6 =	sadd.s32 s6, s8;
	[dreg:$0x0] =	wrdreg $0x0  }
0xab: {  	s8 =	sshll.u32 s28, $0x1;
	[dreg:$0x2] =	wrdreg s6  }
0xac: {  	[dreg:$0x3] =	wrdreg s8  }
0xad: {  	[dreg:$0x4] =	wrdreg $0xC0  }
0xae: {  	_ =	task [dreg:s10], $0x5FFFF  }
0xaf: {  	[dreg:$0x1] =	wrdreg $0xFFFFFFFF  }
0xb0: {  	[dreg:$0x0] =	wrdreg $0x60  }
0xb1: {  	[dreg:$0x2] =	wrdreg s24  }
0xb2: {  	[dreg:$0x3] =	wrdreg s2  }
0xb3: {  	[dreg:$0x4] =	wrdreg s18  }
0xb4: {  	[dreg:$0x5] =	wrdreg s4  }
0xb5: {  	[dreg:$0x6] =	wrdreg s5  }
0xb6: {  	[dreg:$0x7] =	wrdreg $0x192000  }
0xb7: {  	[dreg:$0x8] =	wrdreg $0x9  }
0xb8: {  	_ =	task.clear_ibuf [dreg:s10], $0x9FFFF;
	_ =	strace $0x90000046  }
0xb9: {  	s29 =	simm.s32 $0x9;
	_ =	strace $0x80000048  }
0xba: {  	_ =	swait.ge [sflag:s29], $0x1  }
0xbb: {  	[sflag:s29] =	ssyncadd.s32 $0xFFFFFFFF  }
0xbc: {  	_ =	strace $0x90000048  }
0xbd: {  	_ =	sfence  }
0xbe: {  	s30 =	sld [smem:$0x0];
	_ =	sdelay $0x2  }
0xbf: {  	s31 =	sshll.u32 s1, $0xD;
	s1 =	sshrl.u32 s1, $0x2  }
0xc0: {  	s3 =	sand.u32 $0x4000, s31;
	s1 =	sadd.s32 s1, s30  }
0xc1: {  	s0 =	sor.u32 s3, s0;
	s1 =	sshll.u32 s1, $0x11  }
0xc2: {  	s0 =	sor.u32 s1, s0  }
0xc3: {  	s0 =	sadd.s32 $0x8F2B, s0  }
0xc4: {  	[sflag:s0] =	ssyncadd.remote.s32 $0x1  }
0xc5: {  	_ =	sfence.sel $0xFFFF  }
0xc6: {  	[dreg:$0x0] =	wrdreg $0xFFFFFFFF;
	(pc) =	sbr.abs _section_cstart, $3  }
0xc7: {  	[dreg:$0x1] =	wrdreg $0xFFFFFFFF  }
0xc8: {  	_ =	task.clear_ibuf [dreg:s10], $0x2FFFF;
	_ =	strace $0x9FFFFFFF  }
0xc9: {  	(tm) =	ssettm $0x7FFFFFFF  }
tec
execute0_lowered:
.L_overlay_start_1:
0x0: {  	(tag) =	ssettag $0x1  }
0x1: {  	s3 =	rddreg [dreg:$0x0]  }
0x2: {  	s0 =	rddreg [dreg:$0x1]  }
0x3: {  	s1 =	rddreg [dreg:$0x2];
	s4 =	srdreg.scid  }
0x4: {  	s7 =	stileid.u32;
	s2 =	rddreg [dreg:$0x3]  }
0x5: {  	s18 =	simm.s32 $0x80;
	s19 =	simm.s32 $0x3;
	s21 =	simm.s32 $0x7  }
0x6: {  	s22 =	simm.s32 $0x8;
	s8 =	sand.u32 $0x1, s4;
	s5 =	sshll.u32 s7, $0x1  }
0x7: {  	s23 =	simm.s32 $0x6;
	s4 =	rddreg [dreg:$0x4];
	s6 =	sor.u32 s8, s5  }
0x8: {  	s3 =	sadd.s32 $0x1400, s3;
	p0 =	sne.s32 s7, $0x0;
	s9 =	smul.u32 $0x76320, s6  }
0x9: {  	s5 =	rddreg [dreg:$0x5];
	s8 =	ssub.s32 $0x2, s8;
	s6 =	simm.s32 $0x0  }
0xa: {  	s30 =	sshrl.u32 s8, $0x1;
	[smem:$0x7FF] =	sst s6;
	s11 =	smulhi.u32 $0x1084211, s9  }
0xb: {  	_ =	strace $0x80000047;
	[dreg:$0x7] =	wrdreg s3;
	s3 =	ssub.s32 s8, s30  }
0xc: {  	s24 =	simm.s32 $0x0;
	s15 =	sshrl.u32 @!p0 s5, $0x3;
	s14 =	smax.u32 s3, $0x1  }
0xd: {  	s31 =	sshll.u32 s11, $0x6;
	s9 =	sadd.s32 s0, s11;
	s10 =	sadd.s32 s2, s11  }
0xe: {  	[dreg:$0x8] =	wrdreg s9;
	s9 =	sadd.s32 s1, s11;
	s8 =	sadd.s32 s31, s4  }
0xf: {  	s11 =	sadd.s32 $0x40, s11;
	s12 =	sadd.s32 $0x1FFFF000, s31;
	s13 =	sadd.s32 $0x1E000, s8  }
.LBB2_1:
0x10: {  	s3 =	simm.s32 @!p0 $0x1C09;
	s7 =	rddreg [dreg:$0x7]  }
0x11: {  	[spmem:s15], [sflag:s3] =	dma.local @!p0 [hbm:s7], $0x5780  }
0x12: {  	s3 =	simm.s32 @!p0 $0x9  }
0x13: {  	_ =	swait.ge @!p0 [sflag:s3], $0x5780  }
0x14: {  	[sflag:s3] =	ssyncset.done @!p0 $0x0  }
0x15: {  	[sflag:s3] =	ssyncadd.s32 @!p0 $0xFFFFA880  }
0x16: {  	[bflag:$0x0] =	sbarrier.arrive $0xFFFF  }
0x17: {  	s29 =	rddreg [dreg:$0x8]  }
0x18: {  	[tilespmem:s6], [sflag:$0x1] =	stream.linear.gather [hbm4b:s29+s6], $0x200, $0x38;
	[tilespmem:$0x1BDC0] =	vst v63  }
0x19: {  	s30 =	simm.s32 $0x400;
	s31 =	simm.s32 $0x800  }
0x1a: {  	[tilespmem:s30], [sflag:$0x1] =	stream.linear.gather [hbm4b:s9+s6], $0x200, $0x38;
	[tilespmem:$0x1BDC0] =	vst v63  }
0x1b: {  	p1 =	por $0x0, $0x0;
	s25 =	simm.s32 $0xC30;
	s26 =	simm.s32 $0x0  }
0x1c: {  	[tilespmem:s31], [sflag:$0x1] =	stream.linear.gather [hbm4b:s10+s6], $0x200, $0x38;
	[tilespmem:$0x1BDC0] =	vst v63  }
.LBB2_2:
0x1d: {  	s3 =	sand.u32 $0x1, s26  }
0x1e: {  	s7 =	sadd.s32 $0x1, s3  }
0x1f: {  	_ =	swait.ge [sflag:s7], $0x200  }
0x20: {  	[sflag:s7] =	ssyncset.done $0x0  }
0x21: {  	[sflag:s7] =	ssyncadd.s32 $0xFFFFFE00  }
0x22: {  	_ =	swait.ge [sflag:s7], $0x200  }
0x23: {  	s8 =	simm.s32 $0x1;
	p2 =	seq.s32 s26, $0x1E;
	[sflag:s7] =	ssyncset.done $0x0  }
0x24: {  	s8 =	simm.s32 @!p1 $0x0;
	s16 =	sshll.u32 @!p2 s26, $0x6;
	[sflag:s7] =	ssyncadd.s32 $0xFFFFFE00  }
0x25: {  	s3 =	sxor.u32 @!p2 $0x1, s3;
	s16 =	sadd.s32 @!p2 s16, s11;
	_ =	swait.ge [sflag:s7], $0x200  }
0x26: {  	s20 =	simm.s32 @!p2 $0x0;
	s17 =	sadd.s32 @!p2 s0, s16;
	[sflag:s7] =	ssyncset.done $0x0  }
0x27: {  	[sflag:s7] =	ssyncadd.s32 $0xFFFFFE00;
	s7 =	sadd.s32 @!p2 $0x1, s3;
	s3 =	sshll.u32 @!p2 s3, $0x9  }
0x28: {  	[tilespmem:s3], [sflag:s7] =	stream.linear.gather @!p2 [hbm4b:s17+s20], $0x200, $0x38;
	[tilespmem:$0x1BDC0] =	vst v63  }
0x29: {  	s8 =	sshll.u32 s8, $0x9;
	s28 =	sadd.s32 @!p2 s1, s16;
	s17 =	sor.u32 @!p2 $0x400, s3  }
0x2a: {  	[tilespmem:s17], [sflag:s7] =	stream.linear.gather @!p2 [hbm4b:s28+s20], $0x200, $0x38;
	[tilespmem:$0x1BDC0] =	vst v63  }
0x2b: {  	s16 =	sadd.s32 @!p2 s2, s16;
	s3 =	sor.u32 @!p2 $0x800, s3;
	s28 =	sor.u32 $0x420, s8  }
0x2c: {  	[tilespmem:s3], [sflag:s7] =	stream.linear.gather @!p2 [hbm4b:s16+s20], $0x200, $0x38;
	[tilespmem:$0x1BDC0] =	vst v63  }
0x2d: {  	s7 =	sor.u32 $0x20, s8;
	v0 =	vld [tilespmem:s28+$0xFFFFFFE0]  }
0x2e: {  	v1 =	vld [tilespmem:s7+$0xFFFFFFE0]  }
0x2f: {  	s29 =	sor.u32 $0x820, s8  }
0x30: {  	v2 =	vld [tilespmem:s29+$0xFFFFFFE0];
	_ =	sdelay $0x2  }
0x31: {  	s8 =	smulhi.u32 $0xAAAAAAAB, s26;
	vm0 =	vgt.s32 v0, $0x0;
	vm1 =	vgt.s32 v1, $0x0  }
0x32: {  	v0 =	vnsel vm0, $0x0, v0;
	v1 =	vnsel vm1, $0x0, v1  }
0x33: {  	s3 =	sshrl.u32 s8, $0x1;
	v2 =	vadd.s32 $0x3, v2;
	v0 =	vmin.u32 v0, $0x3;
	v1 =	vmin.u32 v1, $0x63  }
0x34: {  	s3 =	smul.u32 $0xFFFFE800, s3;
	vm0 =	vgt.s32 v2, $0x0;
	v0 =	vmul.u32 $0x7, v0;
	v1 =	vmul.u32 $0x1C, v1  }
0x35: {  	v2 =	vnsel vm0, $0x0, v2  }
0x36: {  	s3 =	sshra.s32 s3, $0x2;
	v2 =	vmin.u32 v2, $0x6;
	v0 =	vadd.s32 v1, v0  }
0x37: {  	s30 =	sadd.s32 s3, s25;
	v0 =	vadd.s32 v2, v0  }
0x38: {  	[tilespmem:s30+$0xFFFFFFD0] =	vst v0  }
0x39: {  	v0 =	vld [tilespmem:s28+$0xFFFFFFF0]  }
0x3a: {  	v1 =	vld [tilespmem:s7+$0xFFFFFFF0];
	_ =	sdelay $0x1  }
0x3b: {  	v2 =	vld [tilespmem:s29+$0xFFFFFFF0];
	_ =	sdelay $0x2  }
0x3c: {  	vm0 =	vgt.s32 v0, $0x0;
	vm1 =	vgt.s32 v1, $0x0  }
0x3d: {  	v0 =	vnsel vm0, $0x0, v0;
	v1 =	vnsel vm1, $0x0, v1  }
0x3e: {  	v2 =	vadd.s32 $0x3, v2;
	v0 =	vmin.u32 v0, $0x3;
	v1 =	vmin.u32 v1, $0x63  }
0x3f: {  	vm0 =	vgt.s32 v2, $0x0;
	v1 =	vmul.u32 $0x1C, v1;
	v0 =	vmul.u32 $0x7, v0  }
0x40: {  	v2 =	vnsel vm0, $0x0, v2  }
0x41: {  	v2 =	vmin.u32 v2, $0x6;
	v0 =	vadd.s32 v1, v0  }
0x42: {  	v0 =	vadd.s32 v2, v0  }
0x43: {  	[tilespmem:s30+$0xFFFFFFE0] =	vst v0  }
0x44: {  	v0 =	vld [tilespmem:s7+$0x0]  }
0x45: {  	v1 =	vld [tilespmem:s28+$0x0];
	_ =	sdelay $0x1  }
0x46: {  	v2 =	vld [tilespmem:s29+$0x0];
	_ =	sdelay $0x2  }
0x47: {  	vm0 =	vgt.s32 v0, $0x0;
	vm1 =	vgt.s32 v1, $0x0  }
0x48: {  	v0 =	vnsel vm0, $0x0, v0;
	v1 =	vnsel vm1, $0x0, v1  }
0x49: {  	v2 =	vadd.s32 $0x3, v2;
	v0 =	vmin.u32 v0, $0x63;
	v1 =	vmin.u32 v1, $0x3  }
0x4a: {  	vm0 =	vgt.s32 v2, $0x0;
	v0 =	vmul.u32 $0x1C, v0;
	v1 =	vmul.u32 $0x7, v1  }
0x4b: {  	v2 =	vnsel vm0, $0x0, v2  }
0x4c: {  	v2 =	vmin.u32 v2, $0x6;
	v0 =	vadd.s32 v0, v1  }
0x4d: {  	v0 =	vadd.s32 v2, v0  }
0x4e: {  	s16 =	smul.u32 $0xAB, s26;
	s8 =	sadd.s32 $0x2, s26;
	[tilespmem:s30+$0xFFFFFFF0] =	vst v0  }
0x4f: {  	s17 =	sand.u32 $0xFF, s8;
	v0 =	vld [tilespmem:s7+$0x10]  }
0x50: {  	s3 =	sshrl.u32 s16, $0x9;
	s16 =	smul.u32 $0xAB, s17;
	v1 =	vld [tilespmem:s28+$0x10]  }
0x51: {  	s3 =	sand.u32 $0x7F, s3;
	v2 =	vld [tilespmem:s29+$0x10]  }
0x52: {  	s3 =	smul.u32 $0x3, s3;
	s16 =	sshrl.u32 s16, $0x9  }
0x53: {  	s20 =	smul.u32 $0x3, s16  }
0x54: {  	s3 =	ssub.s32 s26, s3;
	vm0 =	vgt.s32 v0, $0x0  }
0x55: {  	s16 =	sand.u32 $0xFF, s3;
	s8 =	ssub.s32 s8, s20;
	v0 =	vnsel vm0, $0x0, v0;
	vm0 =	vgt.s32 v1, $0x0  }
0x56: {  	s20 =	simm.s32 $0x0;
	s3 =	sshll.u32 s16, $0x9;
	s31 =	sand.u32 $0xFF, s8;
	v0 =	vmin.u32 v0, $0x63;
	v3 =	vnsel vm0, $0x0, v1;
	v1 =	vadd.s32 $0x3, v2  }
0x57: {  	s8 =	sadd.s32 $0x40, s30;
	s17 =	sadd.s32 $0xC00, s3;
	s7 =	sadd.s32 $0x40, s7;
	v2 =	vmin.u32 v3, $0x3;
	vm0 =	vgt.s32 v1, $0x0;
	v0 =	vmul.u32 $0x1C, v0  }
.LBB2_3:
0x58: {  	s20 =	sadd.s32 $0x4, s20;
	v1 =	vnsel vm0, $0x0, v1;
	v2 =	vmul.u32 $0x7, v2;
	s29 =	sadd.s32 $0x40, s29;
	s28 =	sadd.s32 $0x40, s28  }
0x59: {  	p2 =	slt.u32 s20, $0x1C;
	v1 =	vmin.u32 v1, $0x6  }
0x5a: {  	v0 =	vadd.s32 v0, v2  }
0x5b: {  	v0 =	vadd.s32 v1, v0  }
0x5c: {  	[tilespmem:s30+$0x0] =	vst v0;
	s30 =	smov.u32 s8  }
0x5d: {  	v0 =	vld [tilespmem:s28+$0xFFFFFFE0]  }
0x5e: {  	v1 =	vld [tilespmem:s7+$0xFFFFFFE0];
	_ =	sdelay $0x1  }
0x5f: {  	v2 =	vld [tilespmem:s29+$0xFFFFFFE0];
	_ =	sdelay $0x1  }
0x60: {  	vm0 =	vgt.s32 v0, $0x0  }
0x61: {  	vm1 =	vgt.s32 v1, $0x0;
	v0 =	vnsel vm0, $0x0, v0  }
0x62: {  	v1 =	vnsel vm1, $0x0, v1;
	v0 =	vmin.u32 v0, $0x3  }
0x63: {  	v1 =	vmin.u32 v1, $0x63;
	v2 =	vadd.s32 $0x3, v2;
	v0 =	vmul.u32 $0x7, v0  }
0x64: {  	vm0 =	vgt.s32 v2, $0x0;
	v1 =	vmul.u32 $0x1C, v1  }
0x65: {  	v2 =	vnsel vm0, $0x0, v2  }
0x66: {  	v2 =	vmin.u32 v2, $0x6;
	v0 =	vadd.s32 v1, v0  }
0x67: {  	v0 =	vadd.s32 v2, v0  }
0x68: {  	[tilespmem:s8+$0xFFFFFFD0] =	vst v0  }
0x69: {  	v0 =	vld [tilespmem:s28+$0xFFFFFFF0]  }
0x6a: {  	v1 =	vld [tilespmem:s7+$0xFFFFFFF0]  }
0x6b: {  	v2 =	vld [tilespmem:s29+$0xFFFFFFF0];
	_ =	sdelay $0x2  }
0x6c: {  	vm0 =	vgt.s32 v0, $0x0  }
0x6d: {  	vm1 =	vgt.s32 v1, $0x0;
	v0 =	vnsel vm0, $0x0, v0  }
0x6e: {  	v1 =	vnsel vm1, $0x0, v1;
	v0 =	vmin.u32 v0, $0x3;
	v2 =	vadd.s32 $0x3, v2  }
0x6f: {  	v1 =	vmin.u32 v1, $0x63;
	vm0 =	vgt.s32 v2, $0x0  }
0x70: {  	v0 =	vmul.u32 $0x7, v0;
	v1 =	vmul.u32 $0x1C, v1  }
0x71: {  	v2 =	vnsel vm0, $0x0, v2  }
0x72: {  	v2 =	vmin.u32 v2, $0x6;
	v0 =	vadd.s32 v1, v0  }
0x73: {  	v0 =	vadd.s32 v2, v0  }
0x74: {  	[tilespmem:s8+$0xFFFFFFE0] =	vst v0  }
0x75: {  	v0 =	vld [tilespmem:s7+$0x0]  }
0x76: {  	v1 =	vld [tilespmem:s28+$0x0];
	_ =	sdelay $0x1  }
0x77: {  	v2 =	vld [tilespmem:s29+$0x0];
	_ =	sdelay $0x1  }
0x78: {  	vm0 =	vgt.s32 v0, $0x0  }
0x79: {  	v0 =	vnsel vm0, $0x0, v0;
	vm0 =	vgt.s32 v1, $0x0  }
0x7a: {  	v0 =	vmin.u32 v0, $0x63;
	v1 =	vnsel vm0, $0x0, v1  }
0x7b: {  	v1 =	vmin.u32 v1, $0x3;
	v2 =	vadd.s32 $0x3, v2;
	v0 =	vmul.u32 $0x1C, v0  }
0x7c: {  	vm0 =	vgt.s32 v2, $0x0;
	v1 =	vmul.u32 $0x7, v1  }
0x7d: {  	v2 =	vnsel vm0, $0x0, v2  }
0x7e: {  	v2 =	vmin.u32 v2, $0x6;
	v0 =	vadd.s32 v0, v1  }
0x7f: {  	v0 =	vadd.s32 v2, v0  }
0x80: {  	[tilespmem:s8+$0xFFFFFFF0] =	vst v0  }
0x81: {  	v0 =	vld [tilespmem:s7+$0x10]  }
0x82: {  	v1 =	vld [tilespmem:s28+$0x10]  }
0x83: {  	v2 =	vld [tilespmem:s29+$0x10];
	_ =	sdelay $0x1  }
.Ltmp0:
0x84: {  	(pc) =	sbr.rel @p2 .LBB2_3-.Ltmp0, $4  }
0x85: {  	vm0 =	vgt.s32 v0, $0x0  }
0x86: {  	v0 =	vnsel vm0, $0x0, v0;
	vm0 =	vgt.s32 v1, $0x0  }
0x87: {  	v0 =	vmin.u32 v0, $0x63;
	v3 =	vnsel vm0, $0x0, v1;
	v1 =	vadd.s32 $0x3, v2  }
0x88: {  	s8 =	sadd.s32 $0x40, s8;
	s7 =	sadd.s32 $0x40, s7;
	v2 =	vmin.u32 v3, $0x3;
	vm0 =	vgt.s32 v1, $0x0;
	v0 =	vmul.u32 $0x1C, v0  }
0x89: {  	v2 =	vmul.u32 $0x7, v2  }
0x8a: {  	v1 =	vnsel vm0, $0x0, v1  }
0x8b: {  	v1 =	vmin.u32 v1, $0x6;
	v0 =	vadd.s32 v0, v2  }
0x8c: {  	p2 =	slt.u32 s26, $0x3;
	v0 =	vadd.s32 v1, v0  }
0x8d: {  	s7 =	sadd.s32 @!p2 $0x6, s16;
	[tilespmem:s30+$0x0] =	vst v0  }
0x8e: {  	_ =	swait.ge @!p2 [sflag:s7], $0x8000  }
0x8f: {  	s8 =	sshll.u32 s16, $0xF;
	[sflag:s7] =	ssyncset.done @!p2 $0x0  }
0x90: {  	s28 =	sor.u32 $0x1200, s8;
	s16 =	sadd.s32 $0x3, s16;
	[sflag:s7] =	ssyncadd.s32 @!p2 $0xFFFF8000  }
0x91: {  	[tilespmem:s28], [sflag:s16] =	stream.indirect.gather [spmem:s5], $0x40, s17, s18, $0xb8;
	[tilespmem:$0x1BDC0] =	vst v63  }
0x92: {  	s29 =	sor.u32 $0x3200, s8;
	s30 =	sadd.s32 $0xC80, s3  }
0x93: {  	[tilespmem:s29], [sflag:s16] =	stream.indirect.gather [spmem:s5], $0x40, s30, s18, $0xb8;
	[tilespmem:$0x1BDC0] =	vst v63  }
0x94: {  	s20 =	sor.u32 $0x5200, s8;
	p2 =	seq.s32 s26, $0x0;
	s28 =	sadd.s32 $0xD00, s3  }
0x95: {  	[tilespmem:s20], [sflag:s16] =	stream.indirect.gather [spmem:s5], $0x40, s28, s18, $0xb8;
	[tilespmem:$0x1BDC0] =	vst v63  }
0x96: {  	s29 =	sor.u32 $0x7200, s8;
	s30 =	sadd.s32 $0xD80, s3;
	s3 =	sadd.s32 @!p2 $0x3, s31  }
0x97: {  	[tilespmem:s29], [sflag:s16] =	stream.indirect.gather [spmem:s5], $0x40, s30, s18, $0xb8;
	[tilespmem:$0x1BDC0] =	vst v63  }
0x98: {  	_ =	swait.ge @!p2 [sflag:s3], $0x2000  }
0x99: {  	[sflag:s3] =	ssyncset.done @!p2 $0x0  }
0x9a: {  	[sflag:s3] =	ssyncadd.s32 @!p2 $0xFFFFE000  }
0x9b: {  	_ =	swait.ge @!p2 [sflag:s3], $0x2000  }
0x9c: {  	[sflag:s3] =	ssyncset.done @!p2 $0x0  }
0x9d: {  	[sflag:s3] =	ssyncadd.s32 @!p2 $0xFFFFE000  }
0x9e: {  	_ =	swait.ge @!p2 [sflag:s3], $0x2000  }
0x9f: {  	[sflag:s3] =	ssyncset.done @!p2 $0x0  }
0xa0: {  	[sflag:s3] =	ssyncadd.s32 @!p2 $0xFFFFE000  }
0xa1: {  	_ =	swait.ge @!p2 [sflag:s3], $0x2000  }
0xa2: {  	s7 =	sshll.u32 @!p2 s26, $0xC;
	[sflag:s3] =	ssyncset.done @!p2 $0x0  }
0xa3: {  	s8 =	sshll.u32 @!p2 s31, $0xF;
	[sflag:s3] =	ssyncadd.s32 @!p2 $0xFFFFE000;
	s3 =	sadd.s32 @!p2 s7, s12  }
0xa4: {  	s26 =	sadd.s32 $0x1, s26;
	s8 =	sor.u32 @!p2 $0x1200, s8;
	s3 =	sand.u32 @!p2 $0x1FFFFFC0, s3  }
0xa5: {  	s16 =	simm.s32 @!p2 $0x0;
	s7 =	sadd.s32 @!p2 $0x6, s31;
	s3 =	sadd.s32 @!p2 s4, s3  }
0xa6: {  	[hbm4b:s3+s16] =	stream.linear.scatter @!p2 [tilespmem:s8], [sflag:s7], $0x8000, $0x38;
	[tilespmem:$0x1BDC0] =	vst v63  }
0xa7: {  	p2 =	sne.s32 s26, $0x1F  }
.Ltmp1:
0xa8: {  	_ = 	snop;
	(pc) =	sbr.rel @p2 .LBB2_2-.Ltmp1, $2  }
0xa9: {  	_ =	sdelay $0x2  }
0xaa: {  	p1 =	por !p1, !p1;
	s25 =	sadd.s32 $0x200, s25  }
0xab: {  	_ =	swait.ge [sflag:s19], $0x2000  }
0xac: {  	[sflag:s19] =	ssyncset.done $0x0  }
0xad: {  	[sflag:s19] =	ssyncadd.s32 $0xFFFFE000  }
0xae: {  	_ =	swait.ge [sflag:s19], $0x2000  }
0xaf: {  	[sflag:s19] =	ssyncset.done $0x0  }
0xb0: {  	[sflag:s19] =	ssyncadd.s32 $0xFFFFE000  }
0xb1: {  	_ =	swait.ge [sflag:s19], $0x2000  }
0xb2: {  	[sflag:s19] =	ssyncset.done $0x0  }
0xb3: {  	[sflag:s19] =	ssyncadd.s32 $0xFFFFE000  }
0xb4: {  	_ =	swait.ge [sflag:s19], $0x2000  }
0xb5: {  	[sflag:s19] =	ssyncset.done $0x0  }
0xb6: {  	s3 =	simm.s32 $0x1200;
	[sflag:s19] =	ssyncadd.s32 $0xFFFFE000  }
0xb7: {  	[hbm4b:s13+s6] =	stream.linear.scatter [tilespmem:s3], [sflag:$0x6], $0x8000, $0x38;
	[tilespmem:$0x1BDC0] =	vst v63  }
0xb8: {  	_ =	swait.ge [sflag:s21], $0x8000  }
0xb9: {  	[sflag:s21] =	ssyncset.done $0x0  }
0xba: {  	s24 =	sadd.s32 $0x1, s24;
	[sflag:s21] =	ssyncadd.s32 $0xFFFF8000  }
0xbb: {  	p1 =	sne.s32 s24, s14;
	_ =	swait.ge [sflag:s22], $0x8000  }
.Ltmp2:
0xbc: {  	[sflag:s22] =	ssyncset.done $0x0;
	(pc) =	sbr.rel @p1 .LBB2_1-.Ltmp2, $4  }
0xbd: {  	[sflag:s22] =	ssyncadd.s32 $0xFFFF8000  }
0xbe: {  	_ =	swait.ge [sflag:s23], $0x8000  }
0xbf: {  	[sflag:s23] =	ssyncset.done $0x0  }
0xc0: {  	[sflag:s23] =	ssyncadd.s32 $0xFFFF8000  }
0xc1: {  	_ =	sfence.sel $0x180000  }
0xc2: {  	[bflag:$0x0] =	sbarrier.arrive $0xFFFF  }
0xc3: {  	_ =	strace $0x90000047  }
0xc4: {  	[bflag:$0x2] =	sbarrier.arrive $0xFFFF  }
0xc5: {  	s0 =	rddreg [dreg:$0x6]  }
0xc6: {  	s0 =	sadd.s32 @!p0 $0x100000, s0  }
0xc7: {  	[sflag:s0] =	ssyncadd.tile.s32 @!p0 $0x1;
	_ =	shalt  }
.Lfunc_end2:
_tile_overlayer_lowered:
.L_overlay_start_2:
0xc8: {  	(tag) =	ssettag $0x2  }
0xc9: {  	s0 =	rddreg [dreg:$0x0];
	s2 =	stileid.u32  }
0xca: {  	s1 =	rddreg [dreg:$0x1];
	p0 =	sne.s32 s2, $0x0  }
0xcb: {  	s3 =	rddreg [dreg:$0x2];
	[bflag:$0x3] =	sbarrier.arrive $0xFFFF;
	s2 =	simm.s32 @!p0 $0x1C09  }
0xcc: {  	[timem:s3], [sflag:s2] =	dma.local @!p0 [hbm:s0], s1  }
0xcd: {  	s0 =	simm.s32 @!p0 $0x9  }
0xce: {  	_ =	swait.ge @!p0 [sflag:s0], s1  }
0xcf: {  	s1 =	ssub.s32 @!p0 $0x0, s1;
	[sflag:s0] =	ssyncset.done @!p0 $0x0  }
0xd0: {  	[sflag:s0] =	ssyncadd.s32 @!p0 s1  }
0xd1: {  	[bflag:$0x3] =	sbarrier.arrive $0xFFFF  }
0xd2: {  	_ =	shalt  }

// kernel: sparse-core-data-format-call.cloned.1.call-start
scs
called_computation_lowered:
.L_overlay_start_0:
0x0: {  	s2 =	sld [smem:$0x3FD9]  }
0x1: {  	s3 =	sld [smem:$0x3FFE];
	_ =	sdelay $0x1  }
0x2: {  	s1 =	srdreg.scid  }
0x3: {  	s0 =	sand.u32 $0x1, s1  }
0x4: {  	s18 =	sshll.u32 s0, $0xA;
	s2 =	sadd.s32 s3, s2  }
0x5: {  	s2 =	sadd.s32 s2, s18  }
0x6: {  	[smem:$0x3FBE] =	sst s2  }
0x7: {  	_ = 	snop  }
0x8: {  	s2 =	sld [smem:$0x3FD0];
	(tm) =	ssettm $0x1  }
0x9: {  	s19 =	sld [smem:$0x3FFB];
	_ =	sdelay $0x3  }
0xa: {  	_ =	strace s19  }
0xb: {  	s3 =	sld [smem:$0x3FFC];
	_ =	sdelay $0x3  }
0xc: {  	_ =	strace s3  }
0xd: {  	s3 =	sld [smem:$0x3FFD];
	_ =	sdelay $0x3  }
0xe: {  	_ =	strace s3  }
0xf: {  	_ =	strace $0x8FFFFFFF  }
0x10: {  	s20 =	sld [smem:$0x3FDB];
	_ =	sdelay $0x1  }
0x11: {  	s4 =	simm.s32 $_scs_section_size  }
0x12: {  	s5 =	simm.s32 $_size__tile_overlayer_lowered;
	s6 =	simm.s32 $_tile_overlayer_lowered  }
0x13: {  	s23 =	simm.s32 $0x1BFF;
	s22 =	sshll.u32 s6, $0x1;
	s3 =	sadd.s32 s4, s20  }
0x14: {  	s7 =	simm.s32 $0x0;
	s21 =	sshll.u32 s5, $0x1;
	s5 =	sadd.s32 s22, s3  }
0x15: {  	[timem:s7], [sflag:s23] =	dma.local [hbm:s5], s21  }
0x16: {  	_ =	swait.ge [sflag:s23], s21  }
0x17: {  	s4 =	ssub.s32 $0x0, s21;
	[sflag:s23] =	ssyncset.done $0x0  }
0x18: {  	[sflag:s23] =	ssyncadd.s32 s4;
	_ =	sdelay $0x1  }
0x19: {  	s24 =	simm.s32 $0x1B8B  }
0x1a: {  	_ =	swait.ge [sflag:s24], $0x1  }
0x1b: {  	[sflag:s24] =	ssyncset.done $0x0  }
0x1c: {  	s26 =	simm.s32 $0x1B8E;
	s25 =	sld [smem:$0x3FFE];
	[sflag:s24] =	ssyncadd.s32 $0xFFFFFFFF  }
0x1d: {  	s27 =	simm.s32 $execute0_lowered;
	[smem:$0x3FD2] =	sst s26  }
0x1e: {  	s5 =	sshll.u32 s27, $0x1;
	_ =	strace $0x80000049;
	[dreg:$0x1] =	wrdreg $0xFFFFFFFF  }
0x1f: {  	s28 =	simm.s32 $_size_execute0_lowered;
	s3 =	sadd.s32 s3, s5;
	[dreg:$0x0] =	wrdreg $0x0  }
0x20: {  	s5 =	sshll.u32 s28, $0x1;
	[dreg:$0x2] =	wrdreg s3  }
0x21: {  	[dreg:$0x3] =	wrdreg s5  }
0x22: {  	[dreg:$0x4] =	wrdreg $0xC0  }
0x23: {  	_ =	task [dreg:s7], $0x5FFFF  }
0x24: {  	[dreg:$0x1] =	wrdreg $0xFFFFFFFF  }
0x25: {  	[dreg:$0x0] =	wrdreg $0x60  }
0x26: {  	[dreg:$0x2] =	wrdreg s25  }
0x27: {  	[dreg:$0x3] =	wrdreg s2  }
0x28: {  	[dreg:$0x4] =	wrdreg $0x9  }
0x29: {  	_ =	task.clear_ibuf [dreg:s7], $0x5FFFF;
	_ =	strace $0x90000049  }
0x2a: {  	s29 =	simm.s32 $0x9;
	_ =	strace $0x8000004B  }
0x2b: {  	_ =	swait.ge [sflag:s29], $0x1  }
0x2c: {  	[sflag:s29] =	ssyncadd.s32 $0xFFFFFFFF  }
0x2d: {  	_ =	strace $0x9000004B  }
0x2e: {  	_ =	sfence  }
0x2f: {  	s30 =	sld [smem:$0x0];
	_ =	sdelay $0x2  }
0x30: {  	s31 =	sshll.u32 s1, $0xD;
	s1 =	sshrl.u32 s1, $0x2  }
0x31: {  	s3 =	sand.u32 $0x4000, s31;
	s1 =	sadd.s32 s1, s30  }
0x32: {  	s0 =	sor.u32 s3, s0;
	s1 =	sshll.u32 s1, $0x11  }
0x33: {  	s0 =	sor.u32 s1, s0  }
0x34: {  	s0 =	sadd.s32 $0x8F2B, s0  }
0x35: {  	[sflag:s0] =	ssyncadd.remote.s32 $0x1  }
0x36: {  	_ =	sfence.sel $0xFFFF  }
0x37: {  	[dreg:$0x0] =	wrdreg $0xFFFFFFFF;
	(pc) =	sbr.abs _section_cstart, $3  }
0x38: {  	[dreg:$0x1] =	wrdreg $0xFFFFFFFF  }
0x39: {  	_ =	task.clear_ibuf [dreg:s7], $0x2FFFF;
	_ =	strace $0x9FFFFFFF  }
0x3a: {  	(tm) =	ssettm $0x7FFFFFFF  }
0x3b: {  	_ =	shalt  }
tec
execute0_lowered:
.L_overlay_start_1:
0x0: {  	(tag) =	ssettag $0x1  }
0x1: {  	s4 =	rddreg [dreg:$0x0]  }
0x2: {  	s0 =	srdreg.scid;
	s2 =	rddreg [dreg:$0x1]  }
0x3: {  	s1 =	stileid.u32;
	s5 =	simm.s32 $0x1;
	s0 =	sshll.u32 s0, $0x4  }
0x4: {  	s7 =	simm.s32 $0x2;
	s11 =	simm.s32 $0x0;
	s3 =	sand.u32 $0x10, s0  }
.Ltmp0:
0x5: {  	p0 =	por $0x0, $0x0;
	s3 =	sor.u32 s1, s3;
	(pc) =	sbr.rel .LBB1_1-.Ltmp0, $4  }
0x6: {  	s8 =	simm.s32 $0x3D0C00;
	s10 =	simm.s32 $0x0;
	s3 =	sshll.u32 s3, $0x7  }
0x7: {  	s0 =	rddreg [dreg:$0x2];
	_ =	strace $0x8000004A;
	s6 =	ssub.s32 $0x7A100, s3  }
0x8: {  	s4 =	sadd.s32 $0x1400, s4;
	[sflag:s5] =	ssyncpa.u1 $0x0;
	s6 =	sshrl.u32 s6, $0xC  }
0x9: {  	[sflag:s7] =	ssyncpa.u1 $0x0;
	s9 =	smov.u32 s3;
	s7 =	sadd.s32 $0x2, s6  }
.LBB1_5:
0xa: {  	s13 =	sadd.s32 $0x1000, s9  }
0xb: {  	p2 =	sgt.s32 s13, $0x7A11F  }
0xc: {  	s13 =	smov.u32 @p2 s3;
	p2 =	sne.s32 s10, s7  }
.Ltmp1:
0xd: {  	p1 =	slt.u32 s10, $0x2;
	(pc) =	sbr.rel @!p2 .LBB1_6-.Ltmp1, $4  }
0xe: {  	s12 =	simm.s32 @!p1 $0x2  }
0xf: {  	s14 =	sadd.s32 $0x1, s10;
	_ =	swait.ge @!p1 [sflag:s12], $0x2000  }
0x10: {  	s11 =	smov.u32 s9;
	p0 =	por !p0, !p0;
	[sflag:s12] =	ssyncset.done @!p1 $0x0  }
0x11: {  	s10 =	smov.u32 s14;
	s9 =	smov.u32 s13;
	[sflag:s12] =	ssyncadd.s32 @!p1 $0xFFFFE000  }
.LBB1_1:
0x12: {  	p1 =	sgt.u32 s10, s6  }
0x13: {  	s13 =	smov.u32 s9;
	p2 =	sgt.s32 @!p1 s9, $0x7A0A0  }
0x14: {  	s12 =	sand.u32 @!p1 $0x1FFFFFF, s9;
	s14 =	sshra.s32 @!p1 s9, $0x1F;
	p2 =	por !p2, p1  }
0x15: {  	s15 =	smulhi.u32 @!p1 $0x218DEF5, s12;
	s14 =	sand.u32 @!p1 s14, s9;
	s13 =	simm.s32 @p2 $0x7A0A0  }
0x16: {  	s13 =	ssub.s32 @!p1 s13, s14  }
0x17: {  	s14 =	sshrl.u32 @!p1 s15, $0xC;
	s13 =	sadd.s32 @!p1 $0xFFF85F60, s13  }
0x18: {  	s15 =	sxor.u32 @!p1 $0xFFFFFFFF, s10;
	s14 =	smul.u32 @!p1 $0x7A120, s14;
	s16 =	sshll.u32 @!p1 s13, $0x8  }
0x19: {  	s15 =	sshll.u32 @!p1 s15, $0xD;
	p2 =	sgt.s32 @!p1 s13, $0x7F;
	s13 =	ssub.s32 @!p1 $0x8000, s16  }
0x1a: {  	s12 =	ssub.s32 @!p1 s12, s14;
	p2 =	por !p2, p1;
	s14 =	sand.u32 @!p1 $0x2000, s15  }
0x1b: {  	s15 =	simm.s32 @!p1 $0x40;
	s13 =	sshrl.u32 @!p1 s13, $0x2;
	s12 =	sshll.u32 @!p1 s12, $0x4  }
0x1c: {  	s16 =	simm.s32 @!p1 $0x80;
	s13 =	simm.s32 @!p2 $0x0;
	s12 =	sadd.s32 @!p1 s4, s12  }
0x1d: {  	[tilespmem:s14], [sflag:$0x1] =	stream.strided.gather @!p1 [hbm4b:s12+s15], s13, s16, s15, $0x38;
	[tilespmem:$0x8080] =	vst v63  }
0x1e: {  	p1 =	seq.s32 s10, $0x0  }
0x1f: {  	p2 =	sge.u32 @!p1 s10, s7  }
0x20: {  	p1 =	por p1, p2  }
.Ltmp2:
0x21: {  	_ = 	snop;
	(pc) =	sbr.rel @p1 .LBB1_5-.Ltmp2, $1  }
0x22: {  	_ =	sdelay $0x3  }
0x23: {  	p1 =	sgt.s32 s11, $0x7A0A0;
	s12 =	smov.u32 s11;
	s13 =	sshra.s32 s11, $0x1F  }
0x24: {  	s12 =	simm.s32 @!p1 $0x7A0A0;
	s13 =	sand.u32 s13, s11  }
0x25: {  	s12 =	ssub.s32 s12, s13  }
0x26: {  	s12 =	sadd.s32 $0xFFF85F60, s12  }
0x27: {  	s28 =	sshll.u32 s12, $0x8  }
0x28: {  	s13 =	ssub.s32 $0x8000, s28  }
0x29: {  	p1 =	sgt.s32 s12, $0x7F;
	s12 =	sshrl.u32 s13, $0x2  }
0x2a: {  	s13 =	simm.s32 $0x1;
	s12 =	simm.s32 @p1 $0x0  }
0x2b: {  	s13 =	simm.s32 @!p0 $0x0;
	_ =	swait.ge [sflag:s5], s12  }
0x2c: {  	s14 =	sshll.u32 s13, $0xD;
	s12 =	ssub.s32 $0x0, s12;
	[sflag:s5] =	ssyncset.done $0x0  }
0x2d: {  	s16 =	sor.u32 $0x20, s14;
	[sflag:s5] =	ssyncadd.s32 s12  }
0x2e: {  	s29 =	smul.u32 $0x8100, s13;
	v3 =	vld [tilespmem:s16+$0x10]  }
0x2f: {  	s30 =	sand.u32 $0x1, s10;
	v2 =	vld [tilespmem:s16+$0xFFFFFFF0]  }
0x30: {  	s13 =	smul.u32 $0x8100, s30;
	s12 =	sshrl.u32 s29, $0x2;
	v0 =	vld [tilespmem:s16+$0x0]  }
0x31: {  	s14 =	sor.u32 $0x4000, s12;
	v1 =	vld [tilespmem:s16+$0xFFFFFFE0]  }
0x32: {  	s31 =	sshrl.u32 s13, $0x2;
	s13 =	sadd.s32 $0x0, s14  }
0x33: {  	s15 =	simm.s32 $0x4;
	s12 =	sor.u32 $0x4000, s31;
	s16 =	sadd.s32 $0x40, s16;
	[tilespmem:s13+$0x1830 ss:$0x81] =	vst.msk $0xffff, v3  }
.LBB1_3:
0x34: {  	v3 =	vld [tilespmem:s16+$0x10];
	p1 =	sne.s32 s15, $0x1FC;
	[tilespmem:s13+$0x810 ss:$0x81] =	vst.msk $0xffff, v2;
	s17 =	smov.u32 s15;
	s15 =	sadd.s32 $0x4, s15  }
.Ltmp3:
0x35: {  	v2 =	vld [tilespmem:s16+$0xFFFFFFF0];
	[tilespmem:s13+$0x1020 ss:$0x81] =	vst.msk $0xffff, v0;
	(pc) =	sbr.rel @p1 .LBB1_3-.Ltmp3, $4  }
0x36: {  	v0 =	vld [tilespmem:s16+$0x0];
	[tilespmem:s13+$0x0 ss:$0x81] =	vst.msk $0xffff, v1  }
0x37: {  	s13 =	sshra.s32 s17, $0x2;
	v1 =	vld [tilespmem:s16+$0xFFFFFFE0]  }
0x38: {  	s13 =	sadd.s32 s13, s14  }
0x39: {  	s16 =	sadd.s32 $0x40, s16;
	[tilespmem:s13+$0x1830 ss:$0x81] =	vst.msk $0xffff, v3  }
0x3a: {  	s14 =	sshll.u32 s11, $0x3  }
0x3b: {  	s14 =	sand.u32 $0xFFFFFC00, s14  }
0x3c: {  	s15 =	sshrl.u32 s14, $0x7  }
0x3d: {  	s15 =	smulhi.u32 $0x10C6249, s15;
	_ =	sdelay $0x1  }
0x3e: {  	s15 =	sshrl.u32 s15, $0x4  }
0x3f: {  	s28 =	sand.u32 $0x7F, s11;
	s16 =	smul.u32 $0x7A180, s15  }
0x40: {  	s11 =	sor.u32 s28, s14  }
.Ltmp4:
0x41: {  	s29 =	sand.u32 $0x3F, s15;
	s11 =	ssub.s32 s11, s16;
	(pc) =	sbr.rel .LBB1_5-.Ltmp4, $4  }
0x42: {  	[tilespmem:s13+$0x810 ss:$0x81] =	vst.msk $0xffff, v2;
	s14 =	smul.u32 $0xF430, s29;
	s30 =	sshrl.u32 s11, $0x3;
	s11 =	sand.u32 $0x7, s11  }
0x43: {  	[tilespmem:s13+$0x1020 ss:$0x81] =	vst.msk $0xffff, v0;
	s15 =	sadd.s32 s2, s30;
	s11 =	sshll.u32 s11, $0x12  }
0x44: {  	[tilespmem:s13+$0x0 ss:$0x81] =	vst.msk $0xffff, v1;
	s31 =	sadd.s32 s14, s15;
	s11 =	sor.u32 $0x400, s11  }
0x45: {  	[hbm4b:s31+s11] =	stream.strided.scatter [tilespmem:s12], [sflag:$0x2], $0x2000, s8, s11, $0x20;
	[tilespmem:$0x8080] =	vst v63  }
.LBB1_6:
0x46: {  	_ =	sfence.sel $0x180000  }
0x47: {  	s2 =	simm.s32 $0x1;
	[bflag:$0x0] =	sbarrier.arrive $0xFFFF  }
0x48: {  	s31 =	simm.s32 $0x2;
	[sflag:s2] =	ssyncpa.u1 $0x1  }
0x49: {  	[sflag:s31] =	ssyncpa.u1 $0x1  }
0x4a: {  	p0 =	sne.s32 s1, $0x0;
	_ =	strace $0x9000004A  }
0x4b: {  	s0 =	sadd.s32 @!p0 $0x100000, s0;
	[bflag:$0x2] =	sbarrier.arrive $0xFFFF  }
0x4c: {  	[sflag:s0] =	ssyncadd.tile.s32 @!p0 $0x1;
	_ =	shalt  }
.Lfunc_end1:
_tile_overlayer_lowered:
.L_overlay_start_2:
0x4d: {  	(tag) =	ssettag $0x2  }
0x4e: {  	s0 =	rddreg [dreg:$0x0];
	s2 =	stileid.u32  }
0x4f: {  	s1 =	rddreg [dreg:$0x1];
	p0 =	sne.s32 s2, $0x0  }
0x50: {  	s3 =	rddreg [dreg:$0x2];
	[bflag:$0x3] =	sbarrier.arrive $0xFFFF;
	s2 =	simm.s32 @!p0 $0x1C01  }
0x51: {  	[timem:s3], [sflag:s2] =	dma.local @!p0 [hbm:s0], s1  }
0x52: {  	s0 =	simm.s32 @!p0 $0x1  }
0x53: {  	_ =	swait.ge @!p0 [sflag:s0], s1  }
0x54: {  	s1 =	ssub.s32 @!p0 $0x0, s1;
	[sflag:s0] =	ssyncset.done @!p0 $0x0  }
0x55: {  	[sflag:s0] =	ssyncadd.s32 @!p0 s1  }
0x56: {  	[bflag:$0x3] =	sbarrier.arrive $0xFFFF  }
0x57: {  	_ =	shalt  }

</sc_bundles>
